<compile_context>
chip_gen: v7x
topology: tpu7x:2x2x1
jax: 0.10.2.dev20260603
libtpu: 0.0.44.dev20260713+nightly
codegen_flags: <defaults>
</compile_context>

<pallas_src>
import functools

import jax
import jax.numpy as jnp
from jax import lax
from jax.experimental import pallas as pl
from jax.experimental.pallas import tpu as pltpu
from jax.experimental.pallas import tpu_sc as plsc

N_ASPECTS = 5
BATCH = 16384
NUM_CORES = 2
NUM_SUBCORES = 16
LANES = 16
NW = NUM_CORES * NUM_SUBCORES
BPW = BATCH // NW
CHUNKS = BPW // LANES

_mesh = plsc.VectorSubcoreMesh(
    core_axis_name="c", subcore_axis_name="s",
    num_cores=NUM_CORES, num_subcores=NUM_SUBCORES)


def _worker_base():
    wid = lax.axis_index("s") * NUM_CORES + lax.axis_index("c")
    return wid * BPW


@functools.partial(
    pl.kernel,
    out_type=jax.ShapeDtypeStruct((BATCH,), jnp.float32),
    mesh=_mesh,
    compiler_params=pltpu.CompilerParams(needs_layout_passes=False),
    scratch_types=[
        pltpu.VMEM((BPW,), jnp.int32),
        pltpu.VMEM((BPW, N_ASPECTS), jnp.float32),
        pltpu.VMEM((BPW * N_ASPECTS,), jnp.float32),
        pltpu.VMEM((BPW,), jnp.float32),
        pltpu.SemaphoreType.DMA,
        pltpu.SemaphoreType.DMA,
    ],
)
def _sc_fused(ids_hbm, table_hbm, ratings_flat_hbm, out_hbm,
              ids_v, w_v, r_flat, o_v, sem, isem):
    base = _worker_base()

    rcopy = pltpu.async_copy(
        ratings_flat_hbm.at[pl.ds(base * N_ASPECTS, BPW * N_ASPECTS)],
        r_flat, sem)
    pltpu.async_copy(ids_hbm.at[pl.ds(base, BPW)], ids_v, isem).wait()

    def enqueue(g, _):
        vec = ids_v[pl.ds(g * LANES, LANES)]
        for j in range(LANES):
            slot = g * LANES + j
            row = vec[j]
            pltpu.async_copy(table_hbm.at[pl.ds(row, 1), :],
                             w_v.at[pl.ds(slot, 1), :], isem)
        return _

    lax.fori_loop(0, CHUNKS, enqueue, None)
    pltpu.make_async_copy(table_hbm.at[pl.ds(0, BPW), :], w_v, isem).wait()
    rcopy.wait()

    iota = lax.iota(jnp.int32, LANES)

    def body(c, _):
        rows = c * LANES + iota
        flat = rows * N_ASPECTS
        s = jnp.zeros((LANES,), jnp.float32)
        dot = jnp.zeros((LANES,), jnp.float32)
        for a in range(N_ASPECTS):
            cols = jnp.full((LANES,), a, jnp.int32)
            w = plsc.load_gather(w_v, [rows, cols])
            r = plsc.load_gather(r_flat, [flat + a])
            s = s + jnp.abs(w)
            dot = dot + w * r
        o_v[pl.ds(c * LANES, LANES)] = dot / jnp.maximum(s, 1e-12)
        return _

    lax.fori_loop(0, CHUNKS, body, None)
    pltpu.sync_copy(o_v, out_hbm.at[pl.ds(base, BPW)])


def kernel(U_ids, A_ratings, users_parameters):
    return _sc_fused(U_ids, users_parameters, A_ratings.reshape(-1))

# --- scband reference (transcript-rebuilt; emitter-appended) ---
"""Pipeline reference for scband-linear-user-profile-34591666602705 (READ-ONLY COPY).

The authoritative reference and input builder live on the scoring server;
editing this copy changes nothing except your own understanding.
"""

import jax, jax.numpy as jnp
import numpy as np

N_USERS = 1000000
N_ASPECTS = 5
BATCH = 16384


def setup_inputs(seed: int = 0) -> dict:
    key = jax.random.key(seed)
    k1, k2 = jax.random.split(key)
    U_ids = jax.random.randint(k1, (BATCH,), 0, N_USERS + 1, dtype=jnp.int64 if jax.config.jax_enable_x64 else jnp.int32).astype(jnp.int32)
    A_ratings = jax.random.normal(k2, (BATCH, N_ASPECTS), dtype=jnp.float32)
    users_parameters = jnp.full((N_USERS + 1, N_ASPECTS), 1.0 / N_ASPECTS, dtype=jnp.float32)
    return {"U_ids": U_ids, "A_ratings": A_ratings, "users_parameters": users_parameters}


def reference(U_ids, A_ratings, users_parameters):
    # F.normalize(users_parameters, p=1, dim=1): x / max(||x||_1, eps), eps=1e-12
    norm = jnp.maximum(jnp.sum(jnp.abs(users_parameters), axis=1, keepdims=True), 1e-12)
    user_params_normalized = users_parameters / norm
    # embedding-style gather of per-user aspect weights
    batch_users_params = jnp.take(user_params_normalized, U_ids, axis=0)
    predictions = jnp.sum(batch_users_params * A_ratings, axis=1)
    # global_scale(predictions, args) is undefined in the provided source; treated as identity
    return predictions

if __name__ == "__main__":
    import jax
    _d = setup_inputs()
    print(jax.jit(kernel)(*tuple(_d.values())))

</pallas_src>

<mosaic_0001>
#map = affine_map<(d0, d1) -> (0)>
#map1 = affine_map<(d0, d1) -> (0, 0)>
module attributes {stable_mosaic.version = 14 : i64} {
  func.func @_sc_fused(%arg0: i32, %arg1: i32, %arg2: memref<16384xi32, #tpu.memory_space<hbm>>, %arg3: memref<1000001x5xf32, #tpu.memory_space<hbm>>, %arg4: memref<81920xf32, #tpu.memory_space<hbm>>, %arg5: memref<16384xf32, #tpu.memory_space<hbm>>, %arg6: memref<512xi32, #tpu.memory_space<vmem>>, %arg7: memref<512x5xf32, #tpu.memory_space<vmem>>, %arg8: memref<2560xf32, #tpu.memory_space<vmem>>, %arg9: memref<512xf32, #tpu.memory_space<vmem>>, %arg10: memref<!tpu.dma_semaphore, #tpu.memory_space<semaphore_mem>>, %arg11: memref<!tpu.dma_semaphore, #tpu.memory_space<semaphore_mem>>) attributes {dimension_semantics = [#tpu.dimension_semantics<core_parallel>, #tpu.dimension_semantics<subcore_parallel>], iteration_bounds = array<i64: 2, 16>, scalar_prefetch = 0 : i64, scratch_operands = 6 : i64, tpu.core_type = #tpu.core_type<sc_vector_subcore>, window_params = [{transform_indices = #map}, {transform_indices = #map1}, {transform_indices = #map}, {transform_indices = #map}]} {
    %mul3A = arith.constant 2 : i32
    %mul3A_0 = arith.muli %arg1, %mul3A : i32
    %add3A = arith.addi %mul3A_0, %arg0 : i32
    %mul3A_1 = arith.constant 512 : i32
    %mul3A_2 = arith.muli %add3A, %mul3A_1 : i32
    %mul3A_3 = arith.constant 5 : i32
    %mul3A_4 = arith.muli %mul3A_2, %mul3A_3 : i32
    %dma_start3A = tpu.memref_slice %arg4[%mul3A_4] : memref<81920xf32, #tpu.memory_space<hbm>> -> memref<2560xf32, #tpu.memory_space<hbm>>
    %dma_start3A_5 = tpu.memref_slice %arg4[%mul3A_4] : memref<81920xf32, #tpu.memory_space<hbm>> -> memref<2560xf32, #tpu.memory_space<hbm>>
    tpu.enqueue_dma source(%dma_start3A_5 : memref<2560xf32, #tpu.memory_space<hbm>>) target(%arg8 : memref<2560xf32, #tpu.memory_space<vmem>>) target_semaphore(%arg10 : memref<!tpu.dma_semaphore, #tpu.memory_space<semaphore_mem>>)
    %dma_start3A_6 = tpu.memref_slice %arg2[%mul3A_2] : memref<16384xi32, #tpu.memory_space<hbm>> -> memref<512xi32, #tpu.memory_space<hbm>>
    %dma_start3A_7 = tpu.memref_slice %arg2[%mul3A_2] : memref<16384xi32, #tpu.memory_space<hbm>> -> memref<512xi32, #tpu.memory_space<hbm>>
    tpu.enqueue_dma source(%dma_start3A_7 : memref<512xi32, #tpu.memory_space<hbm>>) target(%arg6 : memref<512xi32, #tpu.memory_space<vmem>>) target_semaphore(%arg11 : memref<!tpu.dma_semaphore, #tpu.memory_space<semaphore_mem>>)
    %dma_wait3A = tpu.memref_slice %arg2[%mul3A_2] : memref<16384xi32, #tpu.memory_space<hbm>> -> memref<512xi32, #tpu.memory_space<hbm>>
    %dma_wait3A_8 = tpu.memref_slice %arg2[%mul3A_2] : memref<16384xi32, #tpu.memory_space<hbm>> -> memref<512xi32, #tpu.memory_space<hbm>>
    tpu.wait_dma2 semaphore(%arg11 : memref<!tpu.dma_semaphore, #tpu.memory_space<semaphore_mem>>) src(%dma_wait3A_8 : memref<512xi32, #tpu.memory_space<hbm>>) dst(%arg6 : memref<512xi32, #tpu.memory_space<vmem>>)
    %scan3A = arith.constant 0 : i32
    %scan3A_9 = arith.constant 32 : i32
    %scan3A_10 = arith.addi %scan3A, %scan3A_9 : i32
    %scan3A_11 = arith.constant 1 : i32
    scf.for %scan3A_26 = %scan3A to %scan3A_10 step %scan3A_11  : i32 {
      %mul3A_27 = arith.constant 16 : i32
      %mul3A_28 = arith.muli %scan3A_26, %mul3A_27 : i32
      %get3A = arith.index_cast %mul3A_28 : i32 to index
      %get3A_29 = tpu.vector_load %arg6[%get3A] {strides = array<i32>} : memref<512xi32, #tpu.memory_space<vmem>>, vector<16xi32>,
      %mul3A_30 = arith.constant 16 : i32
      %mul3A_31 = arith.muli %scan3A_26, %mul3A_30 : i32
      %add3A_32 = arith.constant 0 : i32
      %add3A_33 = arith.addi %mul3A_31, %add3A_32 : i32
      %slice3A = vector.extract_strided_slice %get3A_29 {offsets = [0], sizes = [1], strides = [1]} : vector<16xi32> to vector<1xi32>
      %squeeze3A = vector.extract %slice3A[0] : i32 from vector<1xi32>
      %dma_start3A_34 = arith.constant 0 : i32
      %dma_start3A_35 = tpu.memref_slice %arg7[%add3A_33, %dma_start3A_34] : memref<512x5xf32, #tpu.memory_space<vmem>> -> memref<1x5xf32, #tpu.memory_space<vmem>>
      %dma_start3A_36 = arith.constant 0 : i32
      %dma_start3A_37 = tpu.memref_slice %arg3[%squeeze3A, %dma_start3A_36] : memref<1000001x5xf32, #tpu.memory_space<hbm>> -> memref<1x5xf32, #tpu.memory_space<hbm>>
      %dma_start3A_38 = arith.constant 0 : i32
      %dma_start3A_39 = tpu.memref_slice %arg7[%add3A_33, %dma_start3A_38] : memref<512x5xf32, #tpu.memory_space<vmem>> -> memref<1x5xf32, #tpu.memory_space<vmem>>
      %dma_start3A_40 = arith.constant 0 : i32
      %dma_start3A_41 = tpu.memref_slice %arg3[%squeeze3A, %dma_start3A_40] : memref<1000001x5xf32, #tpu.memory_space<hbm>> -> memref<1x5xf32, #tpu.memory_space<hbm>>
      tpu.enqueue_dma source(%dma_start3A_41 : memref<1x5xf32, #tpu.memory_space<hbm>>) target(%dma_start3A_39 : memref<1x5xf32, #tpu.memory_space<vmem>>) target_semaphore(%arg11 : memref<!tpu.dma_semaphore, #tpu.memory_space<semaphore_mem>>)
      %mul3A_42 = arith.constant 16 : i32
      %mul3A_43 = arith.muli %scan3A_26, %mul3A_42 : i32
      %add3A_44 = arith.constant 1 : i32
      %add3A_45 = arith.addi %mul3A_43, %add3A_44 : i32
      %slice3A_46 = vector.extract_strided_slice %get3A_29 {offsets = [1], sizes = [1], strides = [1]} : vector<16xi32> to vector<1xi32>
      %squeeze3A_47 = vector.extract %slice3A_46[0] : i32 from vector<1xi32>
      %dma_start3A_48 = arith.constant 0 : i32
      %dma_start3A_49 = tpu.memref_slice %arg7[%add3A_45, %dma_start3A_48] : memref<512x5xf32, #tpu.memory_space<vmem>> -> memref<1x5xf32, #tpu.memory_space<vmem>>
      %dma_start3A_50 = arith.constant 0 : i32
      %dma_start3A_51 = tpu.memref_slice %arg3[%squeeze3A_47, %dma_start3A_50] : memref<1000001x5xf32, #tpu.memory_space<hbm>> -> memref<1x5xf32, #tpu.memory_space<hbm>>
      %dma_start3A_52 = arith.constant 0 : i32
      %dma_start3A_53 = tpu.memref_slice %arg7[%add3A_45, %dma_start3A_52] : memref<512x5xf32, #tpu.memory_space<vmem>> -> memref<1x5xf32, #tpu.memory_space<vmem>>
      %dma_start3A_54 = arith.constant 0 : i32
      %dma_start3A_55 = tpu.memref_slice %arg3[%squeeze3A_47, %dma_start3A_54] : memref<1000001x5xf32, #tpu.memory_space<hbm>> -> memref<1x5xf32, #tpu.memory_space<hbm>>
      tpu.enqueue_dma source(%dma_start3A_55 : memref<1x5xf32, #tpu.memory_space<hbm>>) target(%dma_start3A_53 : memref<1x5xf32, #tpu.memory_space<vmem>>) target_semaphore(%arg11 : memref<!tpu.dma_semaphore, #tpu.memory_space<semaphore_mem>>)
      %mul3A_56 = arith.constant 16 : i32
      %mul3A_57 = arith.muli %scan3A_26, %mul3A_56 : i32
      %add3A_58 = arith.constant 2 : i32
      %add3A_59 = arith.addi %mul3A_57, %add3A_58 : i32
      %slice3A_60 = vector.extract_strided_slice %get3A_29 {offsets = [2], sizes = [1], strides = [1]} : vector<16xi32> to vector<1xi32>
      %squeeze3A_61 = vector.extract %slice3A_60[0] : i32 from vector<1xi32>
      %dma_start3A_62 = arith.constant 0 : i32
      %dma_start3A_63 = tpu.memref_slice %arg7[%add3A_59, %dma_start3A_62] : memref<512x5xf32, #tpu.memory_space<vmem>> -> memref<1x5xf32, #tpu.memory_space<vmem>>
      %dma_start3A_64 = arith.constant 0 : i32
      %dma_start3A_65 = tpu.memref_slice %arg3[%squeeze3A_61, %dma_start3A_64] : memref<1000001x5xf32, #tpu.memory_space<hbm>> -> memref<1x5xf32, #tpu.memory_space<hbm>>
      %dma_start3A_66 = arith.constant 0 : i32
      %dma_start3A_67 = tpu.memref_slice %arg7[%add3A_59, %dma_start3A_66] : memref<512x5xf32, #tpu.memory_space<vmem>> -> memref<1x5xf32, #tpu.memory_space<vmem>>
      %dma_start3A_68 = arith.constant 0 : i32
      %dma_start3A_69 = tpu.memref_slice %arg3[%squeeze3A_61, %dma_start3A_68] : memref<1000001x5xf32, #tpu.memory_space<hbm>> -> memref<1x5xf32, #tpu.memory_space<hbm>>
      tpu.enqueue_dma source(%dma_start3A_69 : memref<1x5xf32, #tpu.memory_space<hbm>>) target(%dma_start3A_67 : memref<1x5xf32, #tpu.memory_space<vmem>>) target_semaphore(%arg11 : memref<!tpu.dma_semaphore, #tpu.memory_space<semaphore_mem>>)
      %mul3A_70 = arith.constant 16 : i32
      %mul3A_71 = arith.muli %scan3A_26, %mul3A_70 : i32
      %add3A_72 = arith.constant 3 : i32
      %add3A_73 = arith.addi %mul3A_71, %add3A_72 : i32
      %slice3A_74 = vector.extract_strided_slice %get3A_29 {offsets = [3], sizes = [1], strides = [1]} : vector<16xi32> to vector<1xi32>
      %squeeze3A_75 = vector.extract %slice3A_74[0] : i32 from vector<1xi32>
      %dma_start3A_76 = arith.constant 0 : i32
      %dma_start3A_77 = tpu.memref_slice %arg7[%add3A_73, %dma_start3A_76] : memref<512x5xf32, #tpu.memory_space<vmem>> -> memref<1x5xf32, #tpu.memory_space<vmem>>
      %dma_start3A_78 = arith.constant 0 : i32
      %dma_start3A_79 = tpu.memref_slice %arg3[%squeeze3A_75, %dma_start3A_78] : memref<1000001x5xf32, #tpu.memory_space<hbm>> -> memref<1x5xf32, #tpu.memory_space<hbm>>
      %dma_start3A_80 = arith.constant 0 : i32
      %dma_start3A_81 = tpu.memref_slice %arg7[%add3A_73, %dma_start3A_80] : memref<512x5xf32, #tpu.memory_space<vmem>> -> memref<1x5xf32, #tpu.memory_space<vmem>>
      %dma_start3A_82 = arith.constant 0 : i32
      %dma_start3A_83 = tpu.memref_slice %arg3[%squeeze3A_75, %dma_start3A_82] : memref<1000001x5xf32, #tpu.memory_space<hbm>> -> memref<1x5xf32, #tpu.memory_space<hbm>>
      tpu.enqueue_dma source(%dma_start3A_83 : memref<1x5xf32, #tpu.memory_space<hbm>>) target(%dma_start3A_81 : memref<1x5xf32, #tpu.memory_space<vmem>>) target_semaphore(%arg11 : memref<!tpu.dma_semaphore, #tpu.memory_space<semaphore_mem>>)
      %mul3A_84 = arith.constant 16 : i32
      %mul3A_85 = arith.muli %scan3A_26, %mul3A_84 : i32
      %add3A_86 = arith.constant 4 : i32
      %add3A_87 = arith.addi %mul3A_85, %add3A_86 : i32
      %slice3A_88 = vector.extract_strided_slice %get3A_29 {offsets = [4], sizes = [1], strides = [1]} : vector<16xi32> to vector<1xi32>
      %squeeze3A_89 = vector.extract %slice3A_88[0] : i32 from vector<1xi32>
      %dma_start3A_90 = arith.constant 0 : i32
      %dma_start3A_91 = tpu.memref_slice %arg7[%add3A_87, %dma_start3A_90] : memref<512x5xf32, #tpu.memory_space<vmem>> -> memref<1x5xf32, #tpu.memory_space<vmem>>
      %dma_start3A_92 = arith.constant 0 : i32
      %dma_start3A_93 = tpu.memref_slice %arg3[%squeeze3A_89, %dma_start3A_92] : memref<1000001x5xf32, #tpu.memory_space<hbm>> -> memref<1x5xf32, #tpu.memory_space<hbm>>
      %dma_start3A_94 = arith.constant 0 : i32
      %dma_start3A_95 = tpu.memref_slice %arg7[%add3A_87, %dma_start3A_94] : memref<512x5xf32, #tpu.memory_space<vmem>> -> memref<1x5xf32, #tpu.memory_space<vmem>>
      %dma_start3A_96 = arith.constant 0 : i32
      %dma_start3A_97 = tpu.memref_slice %arg3[%squeeze3A_89, %dma_start3A_96] : memref<1000001x5xf32, #tpu.memory_space<hbm>> -> memref<1x5xf32, #tpu.memory_space<hbm>>
      tpu.enqueue_dma source(%dma_start3A_97 : memref<1x5xf32, #tpu.memory_space<hbm>>) target(%dma_start3A_95 : memref<1x5xf32, #tpu.memory_space<vmem>>) target_semaphore(%arg11 : memref<!tpu.dma_semaphore, #tpu.memory_space<semaphore_mem>>)
      %mul3A_98 = arith.constant 16 : i32
      %mul3A_99 = arith.muli %scan3A_26, %mul3A_98 : i32
      %add3A_100 = arith.constant 5 : i32
      %add3A_101 = arith.addi %mul3A_99, %add3A_100 : i32
      %slice3A_102 = vector.extract_strided_slice %get3A_29 {offsets = [5], sizes = [1], strides = [1]} : vector<16xi32> to vector<1xi32>
      %squeeze3A_103 = vector.extract %slice3A_102[0] : i32 from vector<1xi32>
      %dma_start3A_104 = arith.constant 0 : i32
      %dma_start3A_105 = tpu.memref_slice %arg7[%add3A_101, %dma_start3A_104] : memref<512x5xf32, #tpu.memory_space<vmem>> -> memref<1x5xf32, #tpu.memory_space<vmem>>
      %dma_start3A_106 = arith.constant 0 : i32
      %dma_start3A_107 = tpu.memref_slice %arg3[%squeeze3A_103, %dma_start3A_106] : memref<1000001x5xf32, #tpu.memory_space<hbm>> -> memref<1x5xf32, #tpu.memory_space<hbm>>
      %dma_start3A_108 = arith.constant 0 : i32
      %dma_start3A_109 = tpu.memref_slice %arg7[%add3A_101, %dma_start3A_108] : memref<512x5xf32, #tpu.memory_space<vmem>> -> memref<1x5xf32, #tpu.memory_space<vmem>>
      %dma_start3A_110 = arith.constant 0 : i32
      %dma_start3A_111 = tpu.memref_slice %arg3[%squeeze3A_103, %dma_start3A_110] : memref<1000001x5xf32, #tpu.memory_space<hbm>> -> memref<1x5xf32, #tpu.memory_space<hbm>>
      tpu.enqueue_dma source(%dma_start3A_111 : memref<1x5xf32, #tpu.memory_space<hbm>>) target(%dma_start3A_109 : memref<1x5xf32, #tpu.memory_space<vmem>>) target_semaphore(%arg11 : memref<!tpu.dma_semaphore, #tpu.memory_space<semaphore_mem>>)
      %mul3A_112 = arith.constant 16 : i32
      %mul3A_113 = arith.muli %scan3A_26, %mul3A_112 : i32
      %add3A_114 = arith.constant 6 : i32
      %add3A_115 = arith.addi %mul3A_113, %add3A_114 : i32
      %slice3A_116 = vector.extract_strided_slice %get3A_29 {offsets = [6], sizes = [1], strides = [1]} : vector<16xi32> to vector<1xi32>
      %squeeze3A_117 = vector.extract %slice3A_116[0] : i32 from vector<1xi32>
      %dma_start3A_118 = arith.constant 0 : i32
      %dma_start3A_119 = tpu.memref_slice %arg7[%add3A_115, %dma_start3A_118] : memref<512x5xf32, #tpu.memory_space<vmem>> -> memref<1x5xf32, #tpu.memory_space<vmem>>
      %dma_start3A_120 = arith.constant 0 : i32
      %dma_start3A_121 = tpu.memref_slice %arg3[%squeeze3A_117, %dma_start3A_120] : memref<1000001x5xf32, #tpu.memory_space<hbm>> -> memref<1x5xf32, #tpu.memory_space<hbm>>
      %dma_start3A_122 = arith.constant 0 : i32
      %dma_start3A_123 = tpu.memref_slice %arg7[%add3A_115, %dma_start3A_122] : memref<512x5xf32, #tpu.memory_space<vmem>> -> memref<1x5xf32, #tpu.memory_space<vmem>>
      %dma_start3A_124 = arith.constant 0 : i32
      %dma_start3A_125 = tpu.memref_slice %arg3[%squeeze3A_117, %dma_start3A_124] : memref<1000001x5xf32, #tpu.memory_space<hbm>> -> memref<1x5xf32, #tpu.memory_space<hbm>>
      tpu.enqueue_dma source(%dma_start3A_125 : memref<1x5xf32, #tpu.memory_space<hbm>>) target(%dma_start3A_123 : memref<1x5xf32, #tpu.memory_space<vmem>>) target_semaphore(%arg11 : memref<!tpu.dma_semaphore, #tpu.memory_space<semaphore_mem>>)
      %mul3A_126 = arith.constant 16 : i32
      %mul3A_127 = arith.muli %scan3A_26, %mul3A_126 : i32
      %add3A_128 = arith.constant 7 : i32
      %add3A_129 = arith.addi %mul3A_127, %add3A_128 : i32
      %slice3A_130 = vector.extract_strided_slice %get3A_29 {offsets = [7], sizes = [1], strides = [1]} : vector<16xi32> to vector<1xi32>
      %squeeze3A_131 = vector.extract %slice3A_130[0] : i32 from vector<1xi32>
      %dma_start3A_132 = arith.constant 0 : i32
      %dma_start3A_133 = tpu.memref_slice %arg7[%add3A_129, %dma_start3A_132] : memref<512x5xf32, #tpu.memory_space<vmem>> -> memref<1x5xf32, #tpu.memory_space<vmem>>
      %dma_start3A_134 = arith.constant 0 : i32
      %dma_start3A_135 = tpu.memref_slice %arg3[%squeeze3A_131, %dma_start3A_134] : memref<1000001x5xf32, #tpu.memory_space<hbm>> -> memref<1x5xf32, #tpu.memory_space<hbm>>
      %dma_start3A_136 = arith.constant 0 : i32
      %dma_start3A_137 = tpu.memref_slice %arg7[%add3A_129, %dma_start3A_136] : memref<512x5xf32, #tpu.memory_space<vmem>> -> memref<1x5xf32, #tpu.memory_space<vmem>>
      %dma_start3A_138 = arith.constant 0 : i32
      %dma_start3A_139 = tpu.memref_slice %arg3[%squeeze3A_131, %dma_start3A_138] : memref<1000001x5xf32, #tpu.memory_space<hbm>> -> memref<1x5xf32, #tpu.memory_space<hbm>>
      tpu.enqueue_dma source(%dma_start3A_139 : memref<1x5xf32, #tpu.memory_space<hbm>>) target(%dma_start3A_137 : memref<1x5xf32, #tpu.memory_space<vmem>>) target_semaphore(%arg11 : memref<!tpu.dma_semaphore, #tpu.memory_space<semaphore_mem>>)
      %mul3A_140 = arith.constant 16 : i32
      %mul3A_141 = arith.muli %scan3A_26, %mul3A_140 : i32
      %add3A_142 = arith.constant 8 : i32
      %add3A_143 = arith.addi %mul3A_141, %add3A_142 : i32
      %slice3A_144 = vector.extract_strided_slice %get3A_29 {offsets = [8], sizes = [1], strides = [1]} : vector<16xi32> to vector<1xi32>
      %squeeze3A_145 = vector.extract %slice3A_144[0] : i32 from vector<1xi32>
      %dma_start3A_146 = arith.constant 0 : i32
      %dma_start3A_147 = tpu.memref_slice %arg7[%add3A_143, %dma_start3A_146] : memref<512x5xf32, #tpu.memory_space<vmem>> -> memref<1x5xf32, #tpu.memory_space<vmem>>
      %dma_start3A_148 = arith.constant 0 : i32
      %dma_start3A_149 = tpu.memref_slice %arg3[%squeeze3A_145, %dma_start3A_148] : memref<1000001x5xf32, #tpu.memory_space<hbm>> -> memref<1x5xf32, #tpu.memory_space<hbm>>
      %dma_start3A_150 = arith.constant 0 : i32
      %dma_start3A_151 = tpu.memref_slice %arg7[%add3A_143, %dma_start3A_150] : memref<512x5xf32, #tpu.memory_space<vmem>> -> memref<1x5xf32, #tpu.memory_space<vmem>>
      %dma_start3A_152 = arith.constant 0 : i32
      %dma_start3A_153 = tpu.memref_slice %arg3[%squeeze3A_145, %dma_start3A_152] : memref<1000001x5xf32, #tpu.memory_space<hbm>> -> memref<1x5xf32, #tpu.memory_space<hbm>>
      tpu.enqueue_dma source(%dma_start3A_153 : memref<1x5xf32, #tpu.memory_space<hbm>>) target(%dma_start3A_151 : memref<1x5xf32, #tpu.memory_space<vmem>>) target_semaphore(%arg11 : memref<!tpu.dma_semaphore, #tpu.memory_space<semaphore_mem>>)
      %mul3A_154 = arith.constant 16 : i32
      %mul3A_155 = arith.muli %scan3A_26, %mul3A_154 : i32
      %add3A_156 = arith.constant 9 : i32
      %add3A_157 = arith.addi %mul3A_155, %add3A_156 : i32
      %slice3A_158 = vector.extract_strided_slice %get3A_29 {offsets = [9], sizes = [1], strides = [1]} : vector<16xi32> to vector<1xi32>
      %squeeze3A_159 = vector.extract %slice3A_158[0] : i32 from vector<1xi32>
      %dma_start3A_160 = arith.constant 0 : i32
      %dma_start3A_161 = tpu.memref_slice %arg7[%add3A_157, %dma_start3A_160] : memref<512x5xf32, #tpu.memory_space<vmem>> -> memref<1x5xf32, #tpu.memory_space<vmem>>
      %dma_start3A_162 = arith.constant 0 : i32
      %dma_start3A_163 = tpu.memref_slice %arg3[%squeeze3A_159, %dma_start3A_162] : memref<1000001x5xf32, #tpu.memory_space<hbm>> -> memref<1x5xf32, #tpu.memory_space<hbm>>
      %dma_start3A_164 = arith.constant 0 : i32
      %dma_start3A_165 = tpu.memref_slice %arg7[%add3A_157, %dma_start3A_164] : memref<512x5xf32, #tpu.memory_space<vmem>> -> memref<1x5xf32, #tpu.memory_space<vmem>>
      %dma_start3A_166 = arith.constant 0 : i32
      %dma_start3A_167 = tpu.memref_slice %arg3[%squeeze3A_159, %dma_start3A_166] : memref<1000001x5xf32, #tpu.memory_space<hbm>> -> memref<1x5xf32, #tpu.memory_space<hbm>>
      tpu.enqueue_dma source(%dma_start3A_167 : memref<1x5xf32, #tpu.memory_space<hbm>>) target(%dma_start3A_165 : memref<1x5xf32, #tpu.memory_space<vmem>>) target_semaphore(%arg11 : memref<!tpu.dma_semaphore, #tpu.memory_space<semaphore_mem>>)
      %mul3A_168 = arith.constant 16 : i32
      %mul3A_169 = arith.muli %scan3A_26, %mul3A_168 : i32
      %add3A_170 = arith.constant 10 : i32
      %add3A_171 = arith.addi %mul3A_169, %add3A_170 : i32
      %slice3A_172 = vector.extract_strided_slice %get3A_29 {offsets = [10], sizes = [1], strides = [1]} : vector<16xi32> to vector<1xi32>
      %squeeze3A_173 = vector.extract %slice3A_172[0] : i32 from vector<1xi32>
      %dma_start3A_174 = arith.constant 0 : i32
      %dma_start3A_175 = tpu.memref_slice %arg7[%add3A_171, %dma_start3A_174] : memref<512x5xf32, #tpu.memory_space<vmem>> -> memref<1x5xf32, #tpu.memory_space<vmem>>
      %dma_start3A_176 = arith.constant 0 : i32
      %dma_start3A_177 = tpu.memref_slice %arg3[%squeeze3A_173, %dma_start3A_176] : memref<1000001x5xf32, #tpu.memory_space<hbm>> -> memref<1x5xf32, #tpu.memory_space<hbm>>
      %dma_start3A_178 = arith.constant 0 : i32
      %dma_start3A_179 = tpu.memref_slice %arg7[%add3A_171, %dma_start3A_178] : memref<512x5xf32, #tpu.memory_space<vmem>> -> memref<1x5xf32, #tpu.memory_space<vmem>>
      %dma_start3A_180 = arith.constant 0 : i32
      %dma_start3A_181 = tpu.memref_slice %arg3[%squeeze3A_173, %dma_start3A_180] : memref<1000001x5xf32, #tpu.memory_space<hbm>> -> memref<1x5xf32, #tpu.memory_space<hbm>>
      tpu.enqueue_dma source(%dma_start3A_181 : memref<1x5xf32, #tpu.memory_space<hbm>>) target(%dma_start3A_179 : memref<1x5xf32, #tpu.memory_space<vmem>>) target_semaphore(%arg11 : memref<!tpu.dma_semaphore, #tpu.memory_space<semaphore_mem>>)
      %mul3A_182 = arith.constant 16 : i32
      %mul3A_183 = arith.muli %scan3A_26, %mul3A_182 : i32
      %add3A_184 = arith.constant 11 : i32
      %add3A_185 = arith.addi %mul3A_183, %add3A_184 : i32
      %slice3A_186 = vector.extract_strided_slice %get3A_29 {offsets = [11], sizes = [1], strides = [1]} : vector<16xi32> to vector<1xi32>
      %squeeze3A_187 = vector.extract %slice3A_186[0] : i32 from vector<1xi32>
      %dma_start3A_188 = arith.constant 0 : i32
      %dma_start3A_189 = tpu.memref_slice %arg7[%add3A_185, %dma_start3A_188] : memref<512x5xf32, #tpu.memory_space<vmem>> -> memref<1x5xf32, #tpu.memory_space<vmem>>
      %dma_start3A_190 = arith.constant 0 : i32
      %dma_start3A_191 = tpu.memref_slice %arg3[%squeeze3A_187, %dma_start3A_190] : memref<1000001x5xf32, #tpu.memory_space<hbm>> -> memref<1x5xf32, #tpu.memory_space<hbm>>
      %dma_start3A_192 = arith.constant 0 : i32
      %dma_start3A_193 = tpu.memref_slice %arg7[%add3A_185, %dma_start3A_192] : memref<512x5xf32, #tpu.memory_space<vmem>> -> memref<1x5xf32, #tpu.memory_space<vmem>>
      %dma_start3A_194 = arith.constant 0 : i32
      %dma_start3A_195 = tpu.memref_slice %arg3[%squeeze3A_187, %dma_start3A_194] : memref<1000001x5xf32, #tpu.memory_space<hbm>> -> memref<1x5xf32, #tpu.memory_space<hbm>>
      tpu.enqueue_dma source(%dma_start3A_195 : memref<1x5xf32, #tpu.memory_space<hbm>>) target(%dma_start3A_193 : memref<1x5xf32, #tpu.memory_space<vmem>>) target_semaphore(%arg11 : memref<!tpu.dma_semaphore, #tpu.memory_space<semaphore_mem>>)
      %mul3A_196 = arith.constant 16 : i32
      %mul3A_197 = arith.muli %scan3A_26, %mul3A_196 : i32
      %add3A_198 = arith.constant 12 : i32
      %add3A_199 = arith.addi %mul3A_197, %add3A_198 : i32
      %slice3A_200 = vector.extract_strided_slice %get3A_29 {offsets = [12], sizes = [1], strides = [1]} : vector<16xi32> to vector<1xi32>
      %squeeze3A_201 = vector.extract %slice3A_200[0] : i32 from vector<1xi32>
      %dma_start3A_202 = arith.constant 0 : i32
      %dma_start3A_203 = tpu.memref_slice %arg7[%add3A_199, %dma_start3A_202] : memref<512x5xf32, #tpu.memory_space<vmem>> -> memref<1x5xf32, #tpu.memory_space<vmem>>
      %dma_start3A_204 = arith.constant 0 : i32
      %dma_start3A_205 = tpu.memref_slice %arg3[%squeeze3A_201, %dma_start3A_204] : memref<1000001x5xf32, #tpu.memory_space<hbm>> -> memref<1x5xf32, #tpu.memory_space<hbm>>
      %dma_start3A_206 = arith.constant 0 : i32
      %dma_start3A_207 = tpu.memref_slice %arg7[%add3A_199, %dma_start3A_206] : memref<512x5xf32, #tpu.memory_space<vmem>> -> memref<1x5xf32, #tpu.memory_space<vmem>>
      %dma_start3A_208 = arith.constant 0 : i32
      %dma_start3A_209 = tpu.memref_slice %arg3[%squeeze3A_201, %dma_start3A_208] : memref<1000001x5xf32, #tpu.memory_space<hbm>> -> memref<1x5xf32, #tpu.memory_space<hbm>>
      tpu.enqueue_dma source(%dma_start3A_209 : memref<1x5xf32, #tpu.memory_space<hbm>>) target(%dma_start3A_207 : memref<1x5xf32, #tpu.memory_space<vmem>>) target_semaphore(%arg11 : memref<!tpu.dma_semaphore, #tpu.memory_space<semaphore_mem>>)
      %mul3A_210 = arith.constant 16 : i32
      %mul3A_211 = arith.muli %scan3A_26, %mul3A_210 : i32
      %add3A_212 = arith.constant 13 : i32
      %add3A_213 = arith.addi %mul3A_211, %add3A_212 : i32
      %slice3A_214 = vector.extract_strided_slice %get3A_29 {offsets = [13], sizes = [1], strides = [1]} : vector<16xi32> to vector<1xi32>
      %squeeze3A_215 = vector.extract %slice3A_214[0] : i32 from vector<1xi32>
      %dma_start3A_216 = arith.constant 0 : i32
      %dma_start3A_217 = tpu.memref_slice %arg7[%add3A_213, %dma_start3A_216] : memref<512x5xf32, #tpu.memory_space<vmem>> -> memref<1x5xf32, #tpu.memory_space<vmem>>
      %dma_start3A_218 = arith.constant 0 : i32
      %dma_start3A_219 = tpu.memref_slice %arg3[%squeeze3A_215, %dma_start3A_218] : memref<1000001x5xf32, #tpu.memory_space<hbm>> -> memref<1x5xf32, #tpu.memory_space<hbm>>
      %dma_start3A_220 = arith.constant 0 : i32
      %dma_start3A_221 = tpu.memref_slice %arg7[%add3A_213, %dma_start3A_220] : memref<512x5xf32, #tpu.memory_space<vmem>> -> memref<1x5xf32, #tpu.memory_space<vmem>>
      %dma_start3A_222 = arith.constant 0 : i32
      %dma_start3A_223 = tpu.memref_slice %arg3[%squeeze3A_215, %dma_start3A_222] : memref<1000001x5xf32, #tpu.memory_space<hbm>> -> memref<1x5xf32, #tpu.memory_space<hbm>>
      tpu.enqueue_dma source(%dma_start3A_223 : memref<1x5xf32, #tpu.memory_space<hbm>>) target(%dma_start3A_221 : memref<1x5xf32, #tpu.memory_space<vmem>>) target_semaphore(%arg11 : memref<!tpu.dma_semaphore, #tpu.memory_space<semaphore_mem>>)
      %mul3A_224 = arith.constant 16 : i32
      %mul3A_225 = arith.muli %scan3A_26, %mul3A_224 : i32
      %add3A_226 = arith.constant 14 : i32
      %add3A_227 = arith.addi %mul3A_225, %add3A_226 : i32
      %slice3A_228 = vector.extract_strided_slice %get3A_29 {offsets = [14], sizes = [1], strides = [1]} : vector<16xi32> to vector<1xi32>
      %squeeze3A_229 = vector.extract %slice3A_228[0] : i32 from vector<1xi32>
      %dma_start3A_230 = arith.constant 0 : i32
      %dma_start3A_231 = tpu.memref_slice %arg7[%add3A_227, %dma_start3A_230] : memref<512x5xf32, #tpu.memory_space<vmem>> -> memref<1x5xf32, #tpu.memory_space<vmem>>
      %dma_start3A_232 = arith.constant 0 : i32
      %dma_start3A_233 = tpu.memref_slice %arg3[%squeeze3A_229, %dma_start3A_232] : memref<1000001x5xf32, #tpu.memory_space<hbm>> -> memref<1x5xf32, #tpu.memory_space<hbm>>
      %dma_start3A_234 = arith.constant 0 : i32
      %dma_start3A_235 = tpu.memref_slice %arg7[%add3A_227, %dma_start3A_234] : memref<512x5xf32, #tpu.memory_space<vmem>> -> memref<1x5xf32, #tpu.memory_space<vmem>>
      %dma_start3A_236 = arith.constant 0 : i32
      %dma_start3A_237 = tpu.memref_slice %arg3[%squeeze3A_229, %dma_start3A_236] : memref<1000001x5xf32, #tpu.memory_space<hbm>> -> memref<1x5xf32, #tpu.memory_space<hbm>>
      tpu.enqueue_dma source(%dma_start3A_237 : memref<1x5xf32, #tpu.memory_space<hbm>>) target(%dma_start3A_235 : memref<1x5xf32, #tpu.memory_space<vmem>>) target_semaphore(%arg11 : memref<!tpu.dma_semaphore, #tpu.memory_space<semaphore_mem>>)
      %mul3A_238 = arith.constant 16 : i32
      %mul3A_239 = arith.muli %scan3A_26, %mul3A_238 : i32
      %add3A_240 = arith.constant 15 : i32
      %add3A_241 = arith.addi %mul3A_239, %add3A_240 : i32
      %slice3A_242 = vector.extract_strided_slice %get3A_29 {offsets = [15], sizes = [1], strides = [1]} : vector<16xi32> to vector<1xi32>
      %squeeze3A_243 = vector.extract %slice3A_242[0] : i32 from vector<1xi32>
      %dma_start3A_244 = arith.constant 0 : i32
      %dma_start3A_245 = tpu.memref_slice %arg7[%add3A_241, %dma_start3A_244] : memref<512x5xf32, #tpu.memory_space<vmem>> -> memref<1x5xf32, #tpu.memory_space<vmem>>
      %dma_start3A_246 = arith.constant 0 : i32
      %dma_start3A_247 = tpu.memref_slice %arg3[%squeeze3A_243, %dma_start3A_246] : memref<1000001x5xf32, #tpu.memory_space<hbm>> -> memref<1x5xf32, #tpu.memory_space<hbm>>
      %dma_start3A_248 = arith.constant 0 : i32
      %dma_start3A_249 = tpu.memref_slice %arg7[%add3A_241, %dma_start3A_248] : memref<512x5xf32, #tpu.memory_space<vmem>> -> memref<1x5xf32, #tpu.memory_space<vmem>>
      %dma_start3A_250 = arith.constant 0 : i32
      %dma_start3A_251 = tpu.memref_slice %arg3[%squeeze3A_243, %dma_start3A_250] : memref<1000001x5xf32, #tpu.memory_space<hbm>> -> memref<1x5xf32, #tpu.memory_space<hbm>>
      tpu.enqueue_dma source(%dma_start3A_251 : memref<1x5xf32, #tpu.memory_space<hbm>>) target(%dma_start3A_249 : memref<1x5xf32, #tpu.memory_space<vmem>>) target_semaphore(%arg11 : memref<!tpu.dma_semaphore, #tpu.memory_space<semaphore_mem>>)
    }
    %scan3A_12 = arith.constant 32 : i32
    %dma_wait3A_13 = arith.constant 0 : i32
    %dma_wait3A_14 = arith.constant 0 : i32
    %dma_wait3A_15 = tpu.memref_slice %arg3[%dma_wait3A_13, %dma_wait3A_14] : memref<1000001x5xf32, #tpu.memory_space<hbm>> -> memref<512x5xf32, #tpu.memory_space<hbm>>
    %dma_wait3A_16 = arith.constant 0 : i32
    %dma_wait3A_17 = arith.constant 0 : i32
    %dma_wait3A_18 = tpu.memref_slice %arg3[%dma_wait3A_16, %dma_wait3A_17] : memref<1000001x5xf32, #tpu.memory_space<hbm>> -> memref<512x5xf32, #tpu.memory_space<hbm>>
    tpu.wait_dma2 semaphore(%arg11 : memref<!tpu.dma_semaphore, #tpu.memory_space<semaphore_mem>>) src(%dma_wait3A_18 : memref<512x5xf32, #tpu.memory_space<hbm>>) dst(%arg7 : memref<512x5xf32, #tpu.memory_space<vmem>>)
    %dma_wait3A_19 = tpu.memref_slice %arg4[%mul3A_4] : memref<81920xf32, #tpu.memory_space<hbm>> -> memref<2560xf32, #tpu.memory_space<hbm>>
    %dma_wait3A_20 = tpu.memref_slice %arg4[%mul3A_4] : memref<81920xf32, #tpu.memory_space<hbm>> -> memref<2560xf32, #tpu.memory_space<hbm>>
    tpu.wait_dma2 semaphore(%arg10 : memref<!tpu.dma_semaphore, #tpu.memory_space<semaphore_mem>>) src(%dma_wait3A_20 : memref<2560xf32, #tpu.memory_space<hbm>>) dst(%arg8 : memref<2560xf32, #tpu.memory_space<vmem>>)
    %iota3A = tpu.iota {dimensions = array<i32: 0>} : vector<16xi32>
    %scan3A_21 = arith.constant 0 : i32
    %scan3A_22 = arith.constant 32 : i32
    %scan3A_23 = arith.addi %scan3A_21, %scan3A_22 : i32
    %scan3A_24 = arith.constant 1 : i32
    scf.for %scan3A_26 = %scan3A_21 to %scan3A_23 step %scan3A_24  : i32 {
      %mul3A_27 = arith.constant 16 : i32
      %mul3A_28 = arith.muli %scan3A_26, %mul3A_27 : i32
      %add3A_29 = vector.broadcast %mul3A_28 : i32 to vector<16xi32>
      %add3A_30 = arith.addi %add3A_29, %iota3A : vector<16xi32>
      %mul3A_31 = arith.constant 5 : i32
      %mul3A_32 = vector.broadcast %mul3A_31 : i32 to vector<16xi32>
      %mul3A_33 = arith.muli %add3A_30, %mul3A_32 : vector<16xi32>
      %broadcast_in_dim3A = arith.constant 0.000000e+00 : f32
      %broadcast_in_dim3A_34 = vector.broadcast %broadcast_in_dim3A : f32 to vector<16xf32>
      %broadcast_in_dim3A_35 = arith.constant 0.000000e+00 : f32
      %broadcast_in_dim3A_36 = vector.broadcast %broadcast_in_dim3A_35 : f32 to vector<16xf32>
      %broadcast_in_dim3A_37 = arith.constant 0 : i32
      %broadcast_in_dim3A_38 = vector.broadcast %broadcast_in_dim3A_37 : i32 to vector<16xi32>
      %gather3A = tpu.vector_load_idx %arg7[%add3A_30, %broadcast_in_dim3A_38] : memref<512x5xf32, #tpu.memory_space<vmem>>[vector<16xi32>, vector<16xi32>], vector<16xf32>,
      %add3A_39 = arith.constant 0 : i32
      %add3A_40 = vector.broadcast %add3A_39 : i32 to vector<16xi32>
      %add3A_41 = arith.addi %mul3A_33, %add3A_40 : vector<16xi32>
      %gather3A_42 = tpu.vector_load_idx %arg8[%add3A_41] : memref<2560xf32, #tpu.memory_space<vmem>>[vector<16xi32>], vector<16xf32>,
      %abs3A = math.absf %gather3A : vector<16xf32>
      %add3A_43 = arith.addf %broadcast_in_dim3A_34, %abs3A : vector<16xf32>
      %mul3A_44 = arith.mulf %gather3A, %gather3A_42 : vector<16xf32>
      %add3A_45 = arith.addf %broadcast_in_dim3A_36, %mul3A_44 : vector<16xf32>
      %broadcast_in_dim3A_46 = arith.constant 1 : i32
      %broadcast_in_dim3A_47 = vector.broadcast %broadcast_in_dim3A_46 : i32 to vector<16xi32>
      %gather3A_48 = tpu.vector_load_idx %arg7[%add3A_30, %broadcast_in_dim3A_47] : memref<512x5xf32, #tpu.memory_space<vmem>>[vector<16xi32>, vector<16xi32>], vector<16xf32>,
      %add3A_49 = arith.constant 1 : i32
      %add3A_50 = vector.broadcast %add3A_49 : i32 to vector<16xi32>
      %add3A_51 = arith.addi %mul3A_33, %add3A_50 : vector<16xi32>
      %gather3A_52 = tpu.vector_load_idx %arg8[%add3A_51] : memref<2560xf32, #tpu.memory_space<vmem>>[vector<16xi32>], vector<16xf32>,
      %abs3A_53 = math.absf %gather3A_48 : vector<16xf32>
      %add3A_54 = arith.addf %add3A_43, %abs3A_53 : vector<16xf32>
      %mul3A_55 = arith.mulf %gather3A_48, %gather3A_52 : vector<16xf32>
      %add3A_56 = arith.addf %add3A_45, %mul3A_55 : vector<16xf32>
      %broadcast_in_dim3A_57 = arith.constant 2 : i32
      %broadcast_in_dim3A_58 = vector.broadcast %broadcast_in_dim3A_57 : i32 to vector<16xi32>
      %gather3A_59 = tpu.vector_load_idx %arg7[%add3A_30, %broadcast_in_dim3A_58] : memref<512x5xf32, #tpu.memory_space<vmem>>[vector<16xi32>, vector<16xi32>], vector<16xf32>,
      %add3A_60 = arith.constant 2 : i32
      %add3A_61 = vector.broadcast %add3A_60 : i32 to vector<16xi32>
      %add3A_62 = arith.addi %mul3A_33, %add3A_61 : vector<16xi32>
      %gather3A_63 = tpu.vector_load_idx %arg8[%add3A_62] : memref<2560xf32, #tpu.memory_space<vmem>>[vector<16xi32>], vector<16xf32>,
      %abs3A_64 = math.absf %gather3A_59 : vector<16xf32>
      %add3A_65 = arith.addf %add3A_54, %abs3A_64 : vector<16xf32>
      %mul3A_66 = arith.mulf %gather3A_59, %gather3A_63 : vector<16xf32>
      %add3A_67 = arith.addf %add3A_56, %mul3A_66 : vector<16xf32>
      %broadcast_in_dim3A_68 = arith.constant 3 : i32
      %broadcast_in_dim3A_69 = vector.broadcast %broadcast_in_dim3A_68 : i32 to vector<16xi32>
      %gather3A_70 = tpu.vector_load_idx %arg7[%add3A_30, %broadcast_in_dim3A_69] : memref<512x5xf32, #tpu.memory_space<vmem>>[vector<16xi32>, vector<16xi32>], vector<16xf32>,
      %add3A_71 = arith.constant 3 : i32
      %add3A_72 = vector.broadcast %add3A_71 : i32 to vector<16xi32>
      %add3A_73 = arith.addi %mul3A_33, %add3A_72 : vector<16xi32>
      %gather3A_74 = tpu.vector_load_idx %arg8[%add3A_73] : memref<2560xf32, #tpu.memory_space<vmem>>[vector<16xi32>], vector<16xf32>,
      %abs3A_75 = math.absf %gather3A_70 : vector<16xf32>
      %add3A_76 = arith.addf %add3A_65, %abs3A_75 : vector<16xf32>
      %mul3A_77 = arith.mulf %gather3A_70, %gather3A_74 : vector<16xf32>
      %add3A_78 = arith.addf %add3A_67, %mul3A_77 : vector<16xf32>
      %broadcast_in_dim3A_79 = arith.constant 4 : i32
      %broadcast_in_dim3A_80 = vector.broadcast %broadcast_in_dim3A_79 : i32 to vector<16xi32>
      %gather3A_81 = tpu.vector_load_idx %arg7[%add3A_30, %broadcast_in_dim3A_80] : memref<512x5xf32, #tpu.memory_space<vmem>>[vector<16xi32>, vector<16xi32>], vector<16xf32>,
      %add3A_82 = arith.constant 4 : i32
      %add3A_83 = vector.broadcast %add3A_82 : i32 to vector<16xi32>
      %add3A_84 = arith.addi %mul3A_33, %add3A_83 : vector<16xi32>
      %gather3A_85 = tpu.vector_load_idx %arg8[%add3A_84] : memref<2560xf32, #tpu.memory_space<vmem>>[vector<16xi32>], vector<16xf32>,
      %abs3A_86 = math.absf %gather3A_81 : vector<16xf32>
      %add3A_87 = arith.addf %add3A_76, %abs3A_86 : vector<16xf32>
      %mul3A_88 = arith.mulf %gather3A_81, %gather3A_85 : vector<16xf32>
      %add3A_89 = arith.addf %add3A_78, %mul3A_88 : vector<16xf32>
      %max3A = arith.constant 9.99999996E-13 : f32
      %max3A_90 = vector.broadcast %max3A : f32 to vector<16xf32>
      %max3A_91 = arith.maximumf %add3A_87, %max3A_90 : vector<16xf32>
      %div3A = arith.divf %add3A_89, %max3A_91 : vector<16xf32>
      %mul3A_92 = arith.constant 16 : i32
      %mul3A_93 = arith.muli %scan3A_26, %mul3A_92 : i32
      %swap3A = arith.index_cast %mul3A_93 : i32 to index
      %swap3A_94 = tpu.vector_load %arg9[%swap3A] {strides = array<i32>} : memref<512xf32, #tpu.memory_space<vmem>>, vector<16xf32>,
      tpu.vector_store %arg9[%swap3A], %div3A {strides = array<i32>} : memref<512xf32, #tpu.memory_space<vmem>>, vector<16xf32>,
    }
    %scan3A_25 = arith.constant 32 : i32
    "tpu.region"() ({
      %run_scoped3A = tpu.sem_alloc : memref<!tpu.dma_semaphore, #tpu.memory_space<semaphore_mem>>
      %dma_start3A_26 = tpu.memref_slice %arg5[%mul3A_2] : memref<16384xf32, #tpu.memory_space<hbm>> -> memref<512xf32, #tpu.memory_space<hbm>>
      %dma_start3A_27 = tpu.memref_slice %arg5[%mul3A_2] : memref<16384xf32, #tpu.memory_space<hbm>> -> memref<512xf32, #tpu.memory_space<hbm>>
      tpu.enqueue_dma source(%arg9 : memref<512xf32, #tpu.memory_space<vmem>>) target(%dma_start3A_27 : memref<512xf32, #tpu.memory_space<hbm>>) target_semaphore(%run_scoped3A : memref<!tpu.dma_semaphore, #tpu.memory_space<semaphore_mem>>)
      %dma_wait3A_28 = tpu.memref_slice %arg5[%mul3A_2] : memref<16384xf32, #tpu.memory_space<hbm>> -> memref<512xf32, #tpu.memory_space<hbm>>
      %dma_wait3A_29 = tpu.memref_slice %arg5[%mul3A_2] : memref<16384xf32, #tpu.memory_space<hbm>> -> memref<512xf32, #tpu.memory_space<hbm>>
      tpu.wait_dma2 semaphore(%run_scoped3A : memref<!tpu.dma_semaphore, #tpu.memory_space<semaphore_mem>>) src(%arg9 : memref<512xf32, #tpu.memory_space<vmem>>) dst(%dma_wait3A_29 : memref<512xf32, #tpu.memory_space<hbm>>)
      tpu.yield
    }) : () -> ()
    return
  }
}

</mosaic_0001>

<sc_bundles>
// kernel: kernel.3.cloned.1.call-start
scs
__scs_entry_jumppad:
0x0: {  	(pc) =	sbr.rel $0x88, $3  }
0x1: {  	(tag) =	ssettag $0x0;
	lr =	simm.s32 $0x1  }
0x2: {  	[smem:$0x3F9E] =	sst lr;
	_ =	strace $0xD0000000  }
0x3: {  	_ = 	snop  }
0x4: {  	_ = 	snop  }
0x5: {  	_ = 	snop  }
0x6: {  	_ = 	snop  }
0x7: {  	_ = 	snop  }
__scs_overlays_trampoline_lowered:
0x8: {  	[smem:$0x3FAD] =	sst s0  }
0x9: {  	[smem:$0x3FAE] =	sst s1  }
0xa: {  	[smem:$0x3FAF] =	sst s2  }
0xb: {  	[smem:$0x3FB0] =	sst s3  }
0xc: {  	[smem:$0x3FB1] =	sst s4  }
0xd: {  	[smem:$0x3FB2] =	sst s5  }
0xe: {  	[smem:$0x3FB3] =	sst s6  }
0xf: {  	[smem:$0x3FB4] =	sst s7  }
0x10: {  	[smem:$0x3FB5] =	sst s8  }
0x11: {  	[smem:$0x3FB6] =	sst s9;
	s0 =	simm.s32 @!p0 $0x0  }
0x12: {  	s1 =	sld [smem:$0x3F9C];
	s0 =	simm.s32 @p0 $0x1  }
0x13: {  	[smem:$0x3FB7] =	sst s0;
	s0 =	simm.s32 @!p1 $0x0  }
0x14: {  	s2 =	sld [smem:$0x3F9B];
	s0 =	simm.s32 @p1 $0x1  }
0x15: {  	[smem:$0x3FB8] =	sst s0;
	s0 =	simm.s32 @!p2 $0x0  }
0x16: {  	s3 =	sld [smem:$0x3FDB];
	s0 =	simm.s32 @p2 $0x1  }
0x17: {  	s4 =	simm.s32 $0x1BF5;
	[smem:$0x3FBA] =	sst s0  }
0x18: {  	s0 =	sld [smem:$0x3F9D];
	_ =	swait.ge [sflag:s4], $0x0  }
0x19: {  	s7 =	sld [smem:$0x3F9E]  }
0x1a: {  	s8 =	sadd.s32 $0xFFFFE003, lr  }
0x1b: {  	s9 =	sadd.s32 $0xFFFFFEF7, lr;
	s5 =	simm.s32 $0xFFFFFFFF;
	p2 =	slt.u32 s8, $0xFFFFF086  }
0x1c: {  	p1 =	slt.u32 s9, $0xF7A;
	s5 =	simm.s32 @!p2 $0x0  }
0x1d: {  	s5 =	simm.s32 @p1 $0x1;
	p0 =	seq.s32 s7, s2  }
0x1e: {  	s7 =	smul.u32 @!p0 $0xF7A, s2;
	p2 =	seq.s32 @!p0 s5, $0x0  }
0x1f: {  	s9 =	smul.u32 $0xF7A, s1;
	s8 =	simm.s32 @!p0 $0x1BF5;
	p2 =	por !p2, p0  }
0x20: {  	[sflag:s8] =	ssyncset.s32 @!p0 $0xFFFFF086;
	s6 =	sadd.s32 @!p0 s3, s7;
	s7 =	simm.s32 @!p0 $0x108  }
0x21: {  	s3 =	sadd.s32 s3, s9;
	s6 =	sadd.s32 @!p0 $0x88, s6;
	s7 =	simm.s32 @p2 $0x1082  }
0x22: {  	[simem:s7], [sflag:s8] =	dma.local @!p0 [hbm:s6], $0xF7A  }
0x23: {  	s9 =	sor.u32 $0xD0000000, s2;
	s6 =	simm.s32 $0x108;
	_ =	swait.ge @!p0 [sflag:s8], $0x0  }
0x24: {  	s3 =	sadd.s32 $0x88, s3;
	s6 =	simm.s32 @!p1 $0x1082;
	[sflag:s4] =	ssyncset.s32 $0xFFFFF086  }
0x25: {  	[simem:s6], [sflag:s4] =	dma.local [hbm:s3], $0xF7A  }
0x26: {  	[smem:$0x3F9E] =	sst s1;
	(tag) =	ssettag s2;
	_ =	strace s9  }
0x27: {  	s1 =	sld [smem:$0x3FAE]  }
0x28: {  	s2 =	sld [smem:$0x3FAF]  }
0x29: {  	s4 =	sld [smem:$0x3FB1]  }
0x2a: {  	p0 =	seq.s32 s5, $0x0;
	s5 =	sld [smem:$0x3FB2]  }
0x2b: {  	s6 =	sld [smem:$0x3FB3]  }
0x2c: {  	s7 =	sld [smem:$0x3FB4]  }
0x2d: {  	s3 =	simm.s32 $0x108;
	s8 =	sld [smem:$0x3FB5]  }
0x2e: {  	s3 =	simm.s32 @!p0 $0x1082;
	s9 =	sld [smem:$0x3FB6]  }
0x2f: {  	lr =	sadd.s32 s0, s3;
	s0 =	sld [smem:$0x3FAD]  }
0x30: {  	s3 =	sld [smem:$0x3FB0]  }
0x31: {  	[smem:$0x3FB9] =	sst s10  }
0x32: {  	s10 =	sld [smem:$0x3FB7];
	_ =	sdelay $0x3  }
0x33: {  	p0 =	seq.s32 s10, $0x1;
	s10 =	sld [smem:$0x3FB9];
	_ =	sdelay $0x3  }
0x34: {  	[smem:$0x3FB9] =	sst s10  }
0x35: {  	s10 =	sld [smem:$0x3FB8];
	_ =	sdelay $0x3  }
0x36: {  	p1 =	seq.s32 s10, $0x1;
	s10 =	sld [smem:$0x3FB9];
	_ =	sdelay $0x3  }
0x37: {  	[smem:$0x3FB9] =	sst s10  }
0x38: {  	s10 =	sld [smem:$0x3FBA]  }
0x39: {  	_ = 	snop;
	(pc) =	sbr.ind lr, $3  }
0x3a: {  	_ = 	snop  }
0x3b: {  	_ = 	snop  }
0x3c: {  	p2 =	seq.s32 s10, $0x1;
	s10 =	sld [smem:$0x3FB9]  }
0x3d: {  	_ =	shalt  }
0x3e: {  	_ =	shalt  }
0x3f: {  	_ =	shalt  }
0x40: {  	_ =	shalt  }
0x41: {  	_ =	shalt  }
0x42: {  	_ =	shalt  }
0x43: {  	_ =	shalt  }
0x44: {  	_ =	shalt  }
0x45: {  	_ =	shalt  }
0x46: {  	_ =	shalt  }
0x47: {  	_ =	shalt  }
0x48: {  	_ =	shalt  }
0x49: {  	_ =	shalt  }
0x4a: {  	_ =	shalt  }
0x4b: {  	_ =	shalt  }
0x4c: {  	_ =	shalt  }
0x4d: {  	_ =	shalt  }
0x4e: {  	_ =	shalt  }
0x4f: {  	_ =	shalt  }
0x50: {  	_ =	shalt  }
0x51: {  	_ =	shalt  }
0x52: {  	_ =	shalt  }
0x53: {  	_ =	shalt  }
0x54: {  	_ =	shalt  }
0x55: {  	_ =	shalt  }
0x56: {  	_ =	shalt  }
0x57: {  	_ =	shalt  }
0x58: {  	_ =	shalt  }
0x59: {  	_ =	shalt  }
0x5a: {  	_ =	shalt  }
0x5b: {  	_ =	shalt  }
0x5c: {  	_ =	shalt  }
0x5d: {  	_ =	shalt  }
0x5e: {  	_ =	shalt  }
0x5f: {  	_ =	shalt  }
0x60: {  	_ =	shalt  }
0x61: {  	_ =	shalt  }
0x62: {  	_ =	shalt  }
0x63: {  	_ =	shalt  }
0x64: {  	_ =	shalt  }
0x65: {  	_ =	shalt  }
0x66: {  	_ =	shalt  }
0x67: {  	_ =	shalt  }
0x68: {  	_ =	shalt  }
0x69: {  	_ =	shalt  }
0x6a: {  	_ =	shalt  }
0x6b: {  	_ =	shalt  }
0x6c: {  	_ =	shalt  }
0x6d: {  	_ =	shalt  }
0x6e: {  	_ =	shalt  }
0x6f: {  	_ =	shalt  }
0x70: {  	_ =	shalt  }
0x71: {  	_ =	shalt  }
0x72: {  	_ =	shalt  }
0x73: {  	_ =	shalt  }
0x74: {  	_ =	shalt  }
0x75: {  	_ =	shalt  }
0x76: {  	_ =	shalt  }
0x77: {  	_ =	shalt  }
0x78: {  	_ =	shalt  }
0x79: {  	_ =	shalt  }
0x7a: {  	_ =	shalt  }
0x7b: {  	_ =	shalt  }
0x7c: {  	_ =	shalt  }
0x7d: {  	_ =	shalt  }
0x7e: {  	_ =	shalt  }
0x7f: {  	_ =	shalt  }
0x80: {  	_ =	shalt  }
0x81: {  	_ =	shalt  }
0x82: {  	_ =	shalt  }
0x83: {  	_ =	shalt  }
0x84: {  	_ =	shalt  }
0x85: {  	_ =	shalt  }
0x86: {  	_ =	shalt  }
0x87: {  	_ =	shalt  }
.Lfunc_end0:
.L_simem_size_0:
called_computation_lowered:
.L_overlay_start_0:
0x88: {  	s2 =	sld [smem:$0x3FD9]  }
0x89: {  	s3 =	sld [smem:$0x3FFE];
	_ =	sdelay $0x1  }
0x8a: {  	s1 =	srdreg.scid  }
0x8b: {  	s0 =	sand.u32 $0x1, s1  }
0x8c: {  	s17 =	sshll.u32 s0, $0xA;
	s2 =	sadd.s32 s3, s2  }
0x8d: {  	s2 =	sadd.s32 s2, s17  }
0x8e: {  	[smem:$0x3FC5] =	sst s2  }
0x8f: {  	_ = 	snop  }
0x90: {  	s2 =	sld [smem:$0x3FC9]  }
0x91: {  	s18 =	sld [smem:$0x3FD0];
	(tm) =	ssettm $0x1  }
0x92: {  	s4 =	sld [smem:$0x3FFB];
	_ =	sdelay $0x3  }
0x93: {  	_ =	strace s4  }
0x94: {  	s4 =	sld [smem:$0x3FFC];
	_ =	sdelay $0x3  }
0x95: {  	_ =	strace s4  }
0x96: {  	s4 =	sld [smem:$0x3FFD];
	_ =	sdelay $0x3  }
0x97: {  	_ =	strace s4  }
0x98: {  	_ =	strace $0x8FFFFFFF  }
0x99: {  	s19 =	sld [smem:$0x3FDB];
	_ =	sdelay $0x1  }
0x9a: {  	s5 =	simm.s32 $_scs_section_size  }
0x9b: {  	s6 =	simm.s32 $_size__tile_overlayer_lowered;
	s7 =	simm.s32 $_tile_overlayer_lowered  }
0x9c: {  	s22 =	simm.s32 $0x1BFF;
	s21 =	sshll.u32 s7, $0x1;
	s4 =	sadd.s32 s5, s19  }
0x9d: {  	s8 =	simm.s32 $0x0;
	s20 =	sshll.u32 s6, $0x1;
	s6 =	sadd.s32 s21, s4  }
0x9e: {  	[timem:s8], [sflag:s22] =	dma.local [hbm:s6], s20  }
0x9f: {  	_ =	swait.ge [sflag:s22], s20  }
0xa0: {  	s5 =	ssub.s32 $0x0, s20;
	[sflag:s22] =	ssyncset.done $0x0  }
0xa1: {  	[sflag:s22] =	ssyncadd.s32 s5;
	_ =	sdelay $0x1  }
0xa2: {  	s23 =	simm.s32 $0x1B8B  }
0xa3: {  	_ =	swait.ge [sflag:s23], $0x1  }
0xa4: {  	[sflag:s23] =	ssyncset.done $0x0  }
0xa5: {  	s25 =	simm.s32 $0x1B8E;
	s24 =	sld [smem:$0x3FFE];
	[sflag:s23] =	ssyncadd.s32 $0xFFFFFFFF  }
0xa6: {  	s26 =	simm.s32 $execute0_lowered;
	[smem:$0x3FD2] =	sst s25  }
0xa7: {  	s6 =	sshll.u32 s26, $0x1;
	_ =	strace $0x80000046;
	[dreg:$0x1] =	wrdreg $0xFFFFFFFF  }
0xa8: {  	s28 =	simm.s32 $_size_execute0_lowered;
	s4 =	sadd.s32 s4, s6;
	[dreg:$0x0] =	wrdreg $0x0  }
0xa9: {  	s6 =	sshll.u32 s28, $0x1;
	[dreg:$0x2] =	wrdreg s4  }
0xaa: {  	[dreg:$0x3] =	wrdreg s6  }
0xab: {  	[dreg:$0x4] =	wrdreg $0xC0  }
0xac: {  	_ =	task [dreg:s8], $0x5FFFF  }
0xad: {  	[dreg:$0x1] =	wrdreg $0xFFFFFFFF  }
0xae: {  	[dreg:$0x0] =	wrdreg $0x60  }
0xaf: {  	[dreg:$0x2] =	wrdreg s2  }
0xb0: {  	[dreg:$0x3] =	wrdreg s24  }
0xb1: {  	[dreg:$0x4] =	wrdreg s18  }
0xb2: {  	[dreg:$0x5] =	wrdreg $0x9  }
0xb3: {  	_ =	task.clear_ibuf [dreg:s8], $0x6FFFF;
	_ =	strace $0x90000046  }
0xb4: {  	s29 =	simm.s32 $0x9;
	_ =	strace $0x80000048  }
0xb5: {  	_ =	swait.ge [sflag:s29], $0x1  }
0xb6: {  	[sflag:s29] =	ssyncadd.s32 $0xFFFFFFFF  }
0xb7: {  	_ =	strace $0x90000048  }
0xb8: {  	_ =	sfence  }
0xb9: {  	s30 =	sld [smem:$0x0];
	_ =	sdelay $0x2  }
0xba: {  	s31 =	sshll.u32 s1, $0xD;
	s1 =	sshrl.u32 s1, $0x2  }
0xbb: {  	s3 =	sand.u32 $0x4000, s31;
	s1 =	sadd.s32 s1, s30  }
0xbc: {  	s0 =	sor.u32 s3, s0;
	s1 =	sshll.u32 s1, $0x11  }
0xbd: {  	s0 =	sor.u32 s1, s0  }
0xbe: {  	s0 =	sadd.s32 $0x8F2B, s0  }
0xbf: {  	[sflag:s0] =	ssyncadd.remote.s32 $0x1  }
0xc0: {  	_ =	sfence.sel $0xFFFF  }
0xc1: {  	[dreg:$0x0] =	wrdreg $0xFFFFFFFF;
	(pc) =	sbr.abs _section_cstart, $3  }
0xc2: {  	[dreg:$0x1] =	wrdreg $0xFFFFFFFF  }
0xc3: {  	_ =	task.clear_ibuf [dreg:s8], $0x2FFFF;
	_ =	strace $0x9FFFFFFF  }
0xc4: {  	(tm) =	ssettm $0x7FFFFFFF  }
0xc5: {  	_ =	shalt  }
tec
execute0_lowered:
.L_overlay_start_1:
0x0: {  	(tag) =	ssettag $0x1  }
0x1: {  	s5 =	rddreg [dreg:$0x0]  }
0x2: {  	s4 =	rddreg [dreg:$0x1];
	s1 =	srdreg.scid  }
0x3: {  	s0 =	stileid.u32;
	s6 =	rddreg [dreg:$0x2]  }
0x4: {  	s2 =	simm.s32 $0x0;
	s10 =	simm.s32 $0x1;
	s11 =	simm.s32 $0x200  }
0x5: {  	s13 =	simm.s32 $0x3;
	s7 =	sand.u32 $0x1, s1;
	s3 =	sshll.u32 s0, $0x1  }
0x6: {  	s14 =	simm.s32 $0x0;
	[smem:$0x7FF] =	sst s2;
	s8 =	sor.u32 s7, s3  }
0x7: {  	_ =	strace $0x80000047;
	s7 =	ssub.s32 $0x2, s7;
	s9 =	smul.u32 $0x140, s8  }
0x8: {  	s3 =	sadd.s32 $0x2C00, s4;
	s30 =	sshrl.u32 s7, $0x1;
	s8 =	sshll.u32 s8, $0x6  }
0x9: {  	s7 =	ssub.s32 s7, s30;
	s5 =	sadd.s32 s5, s8;
	s4 =	sadd.s32 s9, s4  }
0xa: {  	s6 =	sadd.s32 s6, s8;
	s8 =	simm.s32 $0x10200;
	s31 =	sadd.s32 $0x400, s4  }
0xb: {  	v0 =	vlaneseq.u32;
	s7 =	smax.u32 s7, $0x1;
	s9 =	simm.s32 $0x2;
	[dreg:$0x4] =	wrdreg s31  }
.LBB2_1:
0xc: {  	s0 =	rddreg [dreg:$0x4]  }
0xd: {  	[tilespmem:s8], [sflag:$0x1] =	stream.linear.gather [hbm4b:s0+s2], $0xA00, $0x38;
	[tilespmem:$0x10E00] =	vst v63  }
0xe: {  	_ = 	snop  }
0xf: {  	[tilespmem:s2], [sflag:$0x2] =	stream.linear.gather [hbm4b:s5+s2], $0x200, $0x38;
	[tilespmem:$0x10E00] =	vst v63  }
0x10: {  	_ =	swait.ge [sflag:s9], $0x200  }
0x11: {  	[sflag:s9] =	ssyncset.done $0x0  }
0x12: {  	[sflag:s9] =	ssyncadd.s32 $0xFFFFFE00  }
0x13: {  	v1 =	vld [tilespmem:s2+$0x0];
	_ =	sdelay $0x4  }
0x14: {  	v1 =	vshll.u32 v1, $0x4  }
0x15: {  	(v2sf) =	vpush v1, $0x0  }
0x16: {  	(v2sf) =	vpush v1, $0x1  }
0x17: {  	(v2sf) =	vpush v1, $0x2;
	_ =	sdelay $0x1  }
0x18: {  	(v2sf) =	vpush v1, $0x4;
	_ =	sdelay $0x1  }
0x19: {  	(v2sf) =	vpush v1, $0x3  }
0x1a: {  	(v2sf) =	vpush v1, $0x5  }
0x1b: {  	s16 =	simm.s32 $0x2000;
	s15 =	simm.s32 $0x0;
	s17 =	simm.s32 $0x0;
	(v2sf) =	vpush v1, $0x6  }
.LBB2_2:
0x1c: {  	p0 =	sne.s32 s16, $0x3E000  }
0x1d: {  	s28 =	sadd.s32 $0x280, s15;
	s21 =	sadd.s32 $0x780, s15;
	s18 =	smov.u32 s16  }
0x1e: {  	s16 =	sadd.s32 $0x2000, s16;
	s24 =	sadd.s32 $0x580, s15;
	s19 =	sadd.s32 $0x800, s15;
	(v2sf) =	vpush v1, $0x7  }
0x1f: {  	s26 =	sadd.s32 $0x480, s15;
	s23 =	sadd.s32 $0x600, s15;
	s20 =	sadd.s32 $0x880, s15  }
0x20: {  	s29 =	sadd.s32 $0x200, s15;
	s30 =	sadd.s32 $0x400, s15;
	(v2sf) =	vpush v1, $0x8  }
0x21: {  	s31 =	sadd.s32 $0x500, s15;
	s17 =	sadd.s32 $0x10, s17  }
0x22: {  	s1 =	sadd.s32 $0x300, s15;
	s22 =	sadd.s32 $0x700, s15;
	s25 =	spop (v2sf);
	(v2sf) =	vpush v1, $0x9  }
0x23: {  	s0 =	sand.u32 $0x1FFFFFF0, s25;
	s25 =	sadd.s32 $0x680, s15;
	s12 =	spop (v2sf)  }
0x24: {  	s0 =	sadd.s32 s3, s0;
	s12 =	sand.u32 $0x1FFFFFF0, s12;
	s4 =	spop (v2sf);
	(v2sf) =	vpush v1, $0xA  }
0x25: {  	[tilespmem:s29], [sflag:$0x2] =	stream.linear.gather [hbm4b:s0+s2], $0x80, $0x38;
	[tilespmem:$0x10E00] =	vst v63  }
0x26: {  	s0 =	sadd.s32 s3, s12;
	s12 =	sadd.s32 $0x380, s15;
	s29 =	spop (v2sf);
	(v2sf) =	vpush v1, $0xB  }
0x27: {  	[tilespmem:s28], [sflag:$0x2] =	stream.linear.gather [hbm4b:s0+s2], $0x80, $0x38;
	[tilespmem:$0x10E00] =	vst v63  }
0x28: {  	s0 =	sand.u32 $0x1FFFFFF0, s4;
	s4 =	sand.u32 $0x1FFFFFF0, s29;
	s28 =	spop (v2sf);
	(v2sf) =	vpush v1, $0xC  }
0x29: {  	s0 =	sadd.s32 s3, s0;
	s28 =	sand.u32 $0x1FFFFFF0, s28;
	s29 =	spop (v2sf)  }
0x2a: {  	[tilespmem:s1], [sflag:$0x2] =	stream.linear.gather [hbm4b:s0+s2], $0x80, $0x38;
	(v2sf) =	vpush v1, $0xD;
	[tilespmem:$0x10E00] =	vst v63  }
0x2b: {  	s0 =	sadd.s32 s3, s28;
	s1 =	sand.u32 $0x1FFFFFF0, s29;
	s28 =	spop (v2sf)  }
0x2c: {  	[tilespmem:s12], [sflag:$0x2] =	stream.linear.gather [hbm4b:s0+s2], $0x80, $0x38;
	(v2sf) =	vpush v1, $0xE;
	[tilespmem:$0x10E00] =	vst v63  }
0x2d: {  	s0 =	sadd.s32 s3, s4;
	s4 =	sand.u32 $0x1FFFFFF0, s28;
	s12 =	spop (v2sf)  }
0x2e: {  	[tilespmem:s30], [sflag:$0x2] =	stream.linear.gather [hbm4b:s0+s2], $0x80, $0x38;
	(v2sf) =	vpush v1, $0xF;
	[tilespmem:$0x10E00] =	vst v63  }
0x2f: {  	s0 =	sadd.s32 s3, s1;
	s1 =	sand.u32 $0x1FFFFFF0, s12;
	s12 =	spop (v2sf)  }
0x30: {  	[tilespmem:s26], [sflag:$0x2] =	stream.linear.gather [hbm4b:s0+s2], $0x80, $0x38;
	[tilespmem:$0x10E00] =	vst v63  }
0x31: {  	s0 =	sadd.s32 s3, s4;
	s4 =	sand.u32 $0x1FFFFFF0, s12;
	s12 =	spop (v2sf)  }
0x32: {  	[tilespmem:s31], [sflag:$0x2] =	stream.linear.gather [hbm4b:s0+s2], $0x80, $0x38;
	[tilespmem:$0x10E00] =	vst v63  }
0x33: {  	s0 =	sadd.s32 s3, s1;
	s1 =	sand.u32 $0x1FFFFFF0, s12;
	s12 =	spop (v2sf)  }
0x34: {  	[tilespmem:s24], [sflag:$0x2] =	stream.linear.gather [hbm4b:s0+s2], $0x80, $0x38;
	[tilespmem:$0x10E00] =	vst v63  }
0x35: {  	s0 =	sadd.s32 s3, s4;
	s4 =	sand.u32 $0x1FFFFFF0, s12;
	s12 =	spop (v2sf)  }
0x36: {  	[tilespmem:s23], [sflag:$0x2] =	stream.linear.gather [hbm4b:s0+s2], $0x80, $0x38;
	[tilespmem:$0x10E00] =	vst v63  }
0x37: {  	s0 =	sadd.s32 s3, s1;
	s1 =	sand.u32 $0x1FFFFFF0, s12;
	s12 =	spop (v2sf)  }
0x38: {  	[tilespmem:s25], [sflag:$0x2] =	stream.linear.gather [hbm4b:s0+s2], $0x80, $0x38;
	[tilespmem:$0x10E00] =	vst v63  }
0x39: {  	s0 =	sadd.s32 s3, s4;
	s4 =	sand.u32 $0x1FFFFFF0, s12;
	s12 =	spop (v2sf)  }
0x3a: {  	[tilespmem:s22], [sflag:$0x2] =	stream.linear.gather [hbm4b:s0+s2], $0x80, $0x38;
	[tilespmem:$0x10E00] =	vst v63  }
0x3b: {  	s0 =	sadd.s32 s3, s1;
	s1 =	sand.u32 $0x1FFFFFF0, s12;
	s12 =	spop (v2sf)  }
0x3c: {  	[tilespmem:s21], [sflag:$0x2] =	stream.linear.gather [hbm4b:s0+s2], $0x80, $0x38;
	[tilespmem:$0x10E00] =	vst v63  }
0x3d: {  	s0 =	sadd.s32 s3, s4;
	s4 =	sand.u32 $0x1FFFFFF0, s12;
	s12 =	spop (v2sf)  }
0x3e: {  	[tilespmem:s19], [sflag:$0x2] =	stream.linear.gather [hbm4b:s0+s2], $0x80, $0x38;
	[tilespmem:$0x10E00] =	vst v63  }
0x3f: {  	s0 =	sadd.s32 s3, s1;
	s1 =	sand.u32 $0x1FFFFFF0, s12  }
0x40: {  	[tilespmem:s20], [sflag:$0x2] =	stream.linear.gather [hbm4b:s0+s2], $0x80, $0x38;
	[tilespmem:$0x10E00] =	vst v63  }
0x41: {  	s4 =	sadd.s32 s3, s4;
	s0 =	sadd.s32 $0x900, s15  }
0x42: {  	[tilespmem:s0], [sflag:$0x2] =	stream.linear.gather [hbm4b:s4+s2], $0x80, $0x38;
	[tilespmem:$0x10E00] =	vst v63  }
0x43: {  	s1 =	sadd.s32 s3, s1;
	s0 =	sadd.s32 $0x980, s15  }
0x44: {  	[tilespmem:s0], [sflag:$0x2] =	stream.linear.gather [hbm4b:s1+s2], $0x80, $0x38;
	[tilespmem:$0x10E00] =	vst v63  }
0x45: {  	v1 =	vld [tilespmem:s17+$0x0];
	_ =	sdelay $0x4  }
0x46: {  	v1 =	vshll.u32 v1, $0x4  }
0x47: {  	(v2sf) =	vpush v1, $0x0  }
0x48: {  	(v2sf) =	vpush v1, $0x1  }
0x49: {  	(v2sf) =	vpush v1, $0x2;
	_ =	sdelay $0x1  }
0x4a: {  	(v2sf) =	vpush v1, $0x4  }
.Ltmp0:
0x4b: {  	(pc) =	sbr.rel @p0 .LBB2_2-.Ltmp0, $3  }
0x4c: {  	(v2sf) =	vpush v1, $0x3  }
0x4d: {  	(v2sf) =	vpush v1, $0x5;
	_ =	sdelay $0x1  }
0x4e: {  	s15 =	sshra.s32 s18, $0x2;
	(v2sf) =	vpush v1, $0x6  }
0x4f: {  	_ =	sdelay $0x1  }
0x50: {  	s0 =	sadd.s32 $0x280, s15;
	s18 =	sadd.s32 $0x780, s15  }
0x51: {  	s1 =	sadd.s32 $0x580, s15;
	s16 =	sadd.s32 $0x800, s15;
	(v2sf) =	vpush v1, $0x7;
	s4 =	sadd.s32 $0x480, s15  }
0x52: {  	s12 =	sadd.s32 $0x600, s15;
	s17 =	sadd.s32 $0x880, s15;
	s19 =	sadd.s32 $0x200, s15  }
0x53: {  	s20 =	sadd.s32 $0x400, s15;
	s21 =	sadd.s32 $0x500, s15;
	(v2sf) =	vpush v1, $0x8;
	s22 =	spop (v2sf)  }
0x54: {  	s23 =	sadd.s32 $0x300, s15;
	s22 =	sand.u32 $0x1FFFFFF0, s22;
	s24 =	spop (v2sf)  }
0x55: {  	(v2sf) =	vpush v1, $0x9;
	s22 =	sadd.s32 s3, s22;
	s24 =	sand.u32 $0x1FFFFFF0, s24;
	s25 =	spop (v2sf)  }
0x56: {  	[tilespmem:s19], [sflag:$0x2] =	stream.linear.gather [hbm4b:s22+s2], $0x80, $0x38;
	[tilespmem:$0x10E00] =	vst v63  }
0x57: {  	s26 =	sadd.s32 $0x380, s15;
	(v2sf) =	vpush v1, $0xA;
	s30 =	sadd.s32 s3, s24;
	s31 =	spop (v2sf)  }
0x58: {  	[tilespmem:s0], [sflag:$0x2] =	stream.linear.gather [hbm4b:s30+s2], $0x80, $0x38;
	[tilespmem:$0x10E00] =	vst v63  }
0x59: {  	s19 =	sadd.s32 $0x700, s15;
	s28 =	sand.u32 $0x1FFFFFF0, s25;
	(v2sf) =	vpush v1, $0xB;
	s29 =	spop (v2sf)  }
0x5a: {  	s22 =	sadd.s32 s3, s28;
	s0 =	sadd.s32 $0x680, s15;
	s25 =	sand.u32 $0x1FFFFFF0, s29  }
0x5b: {  	(v2sf) =	vpush v1, $0xC;
	[tilespmem:s23], [sflag:$0x2] =	stream.linear.gather [hbm4b:s22+s2], $0x80, $0x38;
	[tilespmem:$0x10E00] =	vst v63  }
0x5c: {  	s30 =	sand.u32 $0x1FFFFFF0, s31;
	s31 =	spop (v2sf);
	s28 =	sadd.s32 s3, s25  }
0x5d: {  	(v2sf) =	vpush v1, $0xD;
	[tilespmem:s26], [sflag:$0x2] =	stream.linear.gather [hbm4b:s28+s2], $0x80, $0x38;
	[tilespmem:$0x10E00] =	vst v63  }
0x5e: {  	s22 =	sadd.s32 s3, s30;
	s23 =	sand.u32 $0x1FFFFFF0, s31;
	s29 =	spop (v2sf)  }
0x5f: {  	(v2sf) =	vpush v1, $0xE;
	[tilespmem:s20], [sflag:$0x2] =	stream.linear.gather [hbm4b:s22+s2], $0x80, $0x38;
	[tilespmem:$0x10E00] =	vst v63  }
0x60: {  	s23 =	sadd.s32 s3, s23;
	s30 =	sand.u32 $0x1FFFFFF0, s29;
	s31 =	spop (v2sf)  }
0x61: {  	(v2sf) =	vpush v1, $0xF;
	[tilespmem:s4], [sflag:$0x2] =	stream.linear.gather [hbm4b:s23+s2], $0x80, $0x38;
	[tilespmem:$0x10E00] =	vst v63  }
0x62: {  	s24 =	spop (v2sf);
	s20 =	sadd.s32 s3, s30;
	s23 =	sand.u32 $0x1FFFFFF0, s31  }
0x63: {  	[tilespmem:s21], [sflag:$0x2] =	stream.linear.gather [hbm4b:s20+s2], $0x80, $0x38;
	[tilespmem:$0x10E00] =	vst v63  }
0x64: {  	s25 =	sand.u32 $0x1FFFFFF0, s24;
	s4 =	sadd.s32 s3, s23;
	s26 =	spop (v2sf)  }
0x65: {  	[tilespmem:s1], [sflag:$0x2] =	stream.linear.gather [hbm4b:s4+s2], $0x80, $0x38;
	[tilespmem:$0x10E00] =	vst v63  }
0x66: {  	s20 =	sadd.s32 s3, s25;
	s28 =	sand.u32 $0x1FFFFFF0, s26;
	s29 =	spop (v2sf)  }
0x67: {  	[tilespmem:s12], [sflag:$0x2] =	stream.linear.gather [hbm4b:s20+s2], $0x80, $0x38;
	[tilespmem:$0x10E00] =	vst v63  }
0x68: {  	s4 =	sand.u32 $0x1FFFFFF0, s29;
	s1 =	sadd.s32 s3, s28;
	s30 =	spop (v2sf)  }
0x69: {  	[tilespmem:s0], [sflag:$0x2] =	stream.linear.gather [hbm4b:s1+s2], $0x80, $0x38;
	[tilespmem:$0x10E00] =	vst v63  }
0x6a: {  	s4 =	sadd.s32 s3, s4;
	s31 =	sand.u32 $0x1FFFFFF0, s30;
	s12 =	spop (v2sf)  }
0x6b: {  	[tilespmem:s19], [sflag:$0x2] =	stream.linear.gather [hbm4b:s4+s2], $0x80, $0x38;
	[tilespmem:$0x10E00] =	vst v63  }
0x6c: {  	s0 =	sadd.s32 s3, s31;
	s1 =	sand.u32 $0x1FFFFFF0, s12;
	s20 =	spop (v2sf)  }
0x6d: {  	[tilespmem:s18], [sflag:$0x2] =	stream.linear.gather [hbm4b:s0+s2], $0x80, $0x38;
	[tilespmem:$0x10E00] =	vst v63  }
0x6e: {  	s21 =	sand.u32 $0x1FFFFFF0, s20;
	s1 =	sadd.s32 s3, s1;
	s22 =	spop (v2sf)  }
0x6f: {  	[tilespmem:s16], [sflag:$0x2] =	stream.linear.gather [hbm4b:s1+s2], $0x80, $0x38;
	[tilespmem:$0x10E00] =	vst v63  }
0x70: {  	s23 =	sand.u32 $0x1FFFFFF0, s22;
	s24 =	spop (v2sf);
	s0 =	sadd.s32 s3, s21  }
0x71: {  	[tilespmem:s17], [sflag:$0x2] =	stream.linear.gather [hbm4b:s0+s2], $0x80, $0x38;
	[tilespmem:$0x10E00] =	vst v63  }
0x72: {  	s26 =	sadd.s32 $0x900, s15;
	s25 =	sand.u32 $0x1FFFFFF0, s24;
	s1 =	sadd.s32 s3, s23  }
0x73: {  	[tilespmem:s26], [sflag:$0x2] =	stream.linear.gather [hbm4b:s1+s2], $0x80, $0x38;
	[tilespmem:$0x10E00] =	vst v63  }
0x74: {  	s28 =	sadd.s32 $0x980, s15;
	s29 =	simm.s32 $0x0;
	s0 =	sadd.s32 s3, s25  }
0x75: {  	v1 =	vor.u32 s29, v0;
	[tilespmem:s28], [sflag:$0x2] =	stream.linear.gather [hbm4b:s0+s2], $0x80, $0x38;
	[tilespmem:$0x10E00] =	vst v63  }
0x76: {  	v2 =	vshll.u32 v1, $0x7;
	_ =	swait.ge [sflag:s9], $0x10000  }
0x77: {  	v3 =	vor.u32 $0x1, v2;
	[sflag:s9] =	ssyncset.done $0x0  }
0x78: {  	[sflag:s9] =	ssyncadd.s32 $0xFFFF0000  }
0x79: {  	_ =	swait.ge [sflag:s10], $0xA00  }
0x7a: {  	v4 =	vor.u32 $0x2, v2;
	[sflag:s10] =	ssyncset.done $0x0  }
0x7b: {  	[sflag:s10] =	ssyncadd.s32 $0xFFFFF600  }
0x7c: {  	v5 =	vor.u32 $0x3, v2;
	v3 =	vld.idx.msk [tilespmem:v3+s11+$0x0], $0xffff  }
0x7d: {  	v6 =	vld.idx.msk [tilespmem:v2+s11+$0x0], $0xffff  }
0x7e: {  	v1 =	vmul.u32 $0x5, v1;
	v2 =	vor.u32 $0x4, v2  }
0x7f: {  	v4 =	vld.idx.msk [tilespmem:v4+s11+$0x0], $0xffff;
	_ =	sdelay $0x1  }
0x80: {  	v7 =	vadd.s32 $0x1, v1;
	v5 =	vld.idx.msk [tilespmem:v5+s11+$0x0], $0xffff  }
0x81: {  	v8 =	vand.u32 $0x7FFFFFFF, v6;
	v9 =	vand.u32 $0x7FFFFFFF, v3  }
0x82: {  	v54 =	vadd.s32 $0x2, v1;
	v2 =	vld.idx.msk [tilespmem:v2+s11+$0x0], $0xffff;
	v8 =	vadd.f32 v9, v8  }
0x83: {  	v11 =	vld.idx.msk [tilespmem:v1+s8+$0x0], $0xffff;
	v10 =	vand.u32 $0x7FFFFFFF, v4  }
0x84: {  	v55 =	vadd.s32 $0x3, v1;
	v8 =	vadd.f32 v10, v8  }
0x85: {  	v7 =	vld.idx.msk [tilespmem:v7+s8+$0x0], $0xffff;
	v12 =	vand.u32 $0x7FFFFFFF, v5  }
0x86: {  	v8 =	vadd.f32 v12, v8  }
0x87: {  	v1 =	vadd.s32 $0x4, v1;
	v9 =	vld.idx.msk [tilespmem:v54+s8+$0x0], $0xffff;
	v56 =	vand.u32 $0x7FFFFFFF, v2  }
0x88: {  	v6 =	vmul.f32 v11, v6;
	v8 =	vadd.f32 v56, v8  }
0x89: {  	v10 =	vld.idx.msk [tilespmem:v55+s8+$0x0], $0xffff  }
0x8a: {  	v3 =	vmul.f32 v7, v3;
	v6 =	vadd.f32 $0.0e+00, v6;
	v8 =	vmax.f32 v8, $9.999999960e-13  }
0x8b: {  	(erf) = vrcp.f32 v8  }
0x8c: {  	v1 =	vld.idx.msk [tilespmem:v1+s8+$0x0], $0xffff;
	v3 =	vadd.f32 v3, v6;
	v4 =	vmul.f32 v9, v4;
	_ =	sdelay $0x1  }
0x8d: {  	v3 =	vadd.f32 v4, v3;
	v4 =	vmul.f32 v10, v5;
	_ =	sdelay $0x1  }
0x8e: {  	s30 =	simm.s32 $0x10;
	v3 =	vadd.f32 v4, v3  }
0x8f: {  	v1 =	vmul.f32 v1, v2;
	v5 =	vor.u32 s30, v0  }
0x90: {  	v2 =	vshll.u32 v5, $0x7  }
0x91: {  	v4 =	vor.u32 $0x1, v2;
	v1 =	vadd.f32 v1, v3  }
0x92: {  	v3 =	vpop (erf)  }
0x93: {  	v1 =	vmul.f32 v3, v1  }
0x94: {  	s15 =	simm.s32 $0x10C00;
	v5 =	vmul.u32 $0x5, v5;
	v3 =	vor.u32 $0x2, v2  }
0x95: {  	[tilespmem:s15+$0x0] =	vst v1  }
0x96: {  	v1 =	vld.idx.msk [tilespmem:v4+s11+$0x0], $0xffff;
	v4 =	vor.u32 $0x3, v2  }
0x97: {  	v7 =	vadd.s32 $0x1, v5;
	v6 =	vld.idx.msk [tilespmem:v2+s11+$0x0], $0xffff  }
0x98: {  	v2 =	vor.u32 $0x4, v2  }
0x99: {  	v3 =	vld.idx.msk [tilespmem:v3+s11+$0x0], $0xffff  }
0x9a: {  	v58 =	vld.idx.msk [tilespmem:v5+s8+$0x0], $0xffff  }
0x9b: {  	v4 =	vld.idx.msk [tilespmem:v4+s11+$0x0], $0xffff  }
0x9c: {  	v7 =	vld.idx.msk [tilespmem:v7+s8+$0x0], $0xffff;
	v60 =	vand.u32 $0x7FFFFFFF, v6;
	v61 =	vand.u32 $0x7FFFFFFF, v1  }
0x9d: {  	v2 =	vld.idx.msk [tilespmem:v2+s11+$0x0], $0xffff;
	v11 =	vadd.f32 v61, v60  }
0x9e: {  	v57 =	vadd.s32 $0x2, v5;
	v62 =	vand.u32 $0x7FFFFFFF, v3  }
0x9f: {  	v11 =	vadd.f32 v62, v11  }
0xa0: {  	v59 =	vadd.s32 $0x3, v5;
	v63 =	vand.u32 $0x7FFFFFFF, v4  }
0xa1: {  	v6 =	vmul.f32 v58, v6;
	v9 =	vadd.f32 v63, v11  }
0xa2: {  	v5 =	vadd.s32 $0x4, v5;
	v1 =	vmul.f32 v7, v1;
	v7 =	vand.u32 $0x7FFFFFFF, v2  }
0xa3: {  	v8 =	vld.idx.msk [tilespmem:v57+s8+$0x0], $0xffff;
	v6 =	vadd.f32 $0.0e+00, v6;
	v7 =	vadd.f32 v7, v9;
	_ =	sdelay $0x1  }
0xa4: {  	v10 =	vld.idx.msk [tilespmem:v59+s8+$0x0], $0xffff;
	v1 =	vadd.f32 v1, v6;
	v6 =	vmax.f32 v7, $9.999999960e-13  }
0xa5: {  	(erf) = vrcp.f32 v6  }
0xa6: {  	v5 =	vld.idx.msk [tilespmem:v5+s8+$0x0], $0xffff  }
0xa7: {  	v3 =	vmul.f32 v8, v3;
	_ =	sdelay $0x1  }
0xa8: {  	v4 =	vmul.f32 v10, v4;
	v3 =	vadd.f32 v3, v1  }
0xa9: {  	s31 =	simm.s32 $0x20  }
0xaa: {  	v1 =	vor.u32 s31, v0;
	v3 =	vadd.f32 v4, v3;
	v4 =	vmul.f32 v5, v2  }
0xab: {  	s16 =	simm.s32 $0x30;
	v2 =	vshll.u32 v1, $0x7  }
.LBB2_4:
0xac: {  	p0 =	sne.s32 s16, $0x1F0;
	v5 =	vor.u32 $0x1, v2;
	v3 =	vadd.f32 v4, v3  }
0xad: {  	v4 =	vpop (erf)  }
0xae: {  	v3 =	vmul.f32 v4, v3  }
0xaf: {  	s15 =	sadd.s32 $0x10, s15;
	v4 =	vor.u32 $0x2, v2  }
0xb0: {  	[tilespmem:s15+$0x0] =	vst v3  }
0xb1: {  	v3 =	vld.idx.msk [tilespmem:v5+s11+$0x0], $0xffff;
	v5 =	vor.u32 $0x3, v2  }
0xb2: {  	v6 =	vld.idx.msk [tilespmem:v2+s11+$0x0], $0xffff  }
0xb3: {  	v2 =	vor.u32 $0x4, v2  }
0xb4: {  	v1 =	vmul.u32 $0x5, v1;
	v4 =	vld.idx.msk [tilespmem:v4+s11+$0x0], $0xffff;
	_ =	sdelay $0x1  }
0xb5: {  	v5 =	vld.idx.msk [tilespmem:v5+s11+$0x0], $0xffff  }
0xb6: {  	v7 =	vadd.s32 $0x1, v1  }
0xb7: {  	v9 =	vand.u32 $0x7FFFFFFF, v3;
	v8 =	vand.u32 $0x7FFFFFFF, v6;
	v2 =	vld.idx.msk [tilespmem:v2+s11+$0x0], $0xffff  }
0xb8: {  	v8 =	vadd.f32 v9, v8;
	v9 =	vadd.s32 $0x2, v1  }
0xb9: {  	v11 =	vand.u32 $0x7FFFFFFF, v4;
	v10 =	vld.idx.msk [tilespmem:v1+s8+$0x0], $0xffff  }
0xba: {  	v8 =	vadd.f32 v11, v8;
	v11 =	vadd.s32 $0x3, v1  }
0xbb: {  	v12 =	vand.u32 $0x7FFFFFFF, v5;
	v7 =	vld.idx.msk [tilespmem:v7+s8+$0x0], $0xffff  }
0xbc: {  	v1 =	vadd.s32 $0x4, v1;
	v8 =	vadd.f32 v12, v8  }
0xbd: {  	v12 =	vand.u32 $0x7FFFFFFF, v2;
	v9 =	vld.idx.msk [tilespmem:v9+s8+$0x0], $0xffff  }
0xbe: {  	v8 =	vadd.f32 v12, v8  }
0xbf: {  	v6 =	vmul.f32 v10, v6;
	v10 =	vld.idx.msk [tilespmem:v11+s8+$0x0], $0xffff  }
0xc0: {  	v8 =	vmax.f32 v8, $9.999999960e-13  }
0xc1: {  	v6 =	vadd.f32 $0.0e+00, v6;
	v3 =	vmul.f32 v7, v3;
	v7 =	vld.idx.msk [tilespmem:v1+s8+$0x0], $0xffff;
	(erf) = vrcp.f32 v8;
	_ =	sdelay $0x1  }
0xc2: {  	v1 =	vadd.f32 v3, v6;
	v3 =	vmul.f32 v9, v4  }
.Ltmp1:
0xc3: {  	(pc) =	sbr.rel @p0 .LBB2_4-.Ltmp1, $3  }
0xc4: {  	v3 =	vadd.f32 v3, v1;
	v4 =	vmul.f32 v10, v5;
	_ =	sdelay $0x1  }
0xc5: {  	v1 =	vor.u32 s16, v0;
	v3 =	vadd.f32 v4, v3;
	v4 =	vmul.f32 v7, v2  }
0xc6: {  	s16 =	sadd.s32 $0x10, s16;
	v2 =	vshll.u32 v1, $0x7  }
0xc7: {  	v5 =	vor.u32 $0x1, v2;
	v3 =	vadd.f32 v4, v3  }
0xc8: {  	v57 =	vpop (erf)  }
0xc9: {  	v3 =	vmul.f32 v57, v3  }
0xca: {  	v58 =	vor.u32 $0x2, v2;
	s0 =	sadd.s32 $0x10, s15  }
0xcb: {  	[tilespmem:s0+$0x0] =	vst v3  }
0xcc: {  	v59 =	vor.u32 $0x3, v2;
	v3 =	vld.idx.msk [tilespmem:v5+s11+$0x0], $0xffff  }
0xcd: {  	v6 =	vld.idx.msk [tilespmem:v2+s11+$0x0], $0xffff  }
0xce: {  	v2 =	vor.u32 $0x4, v2  }
0xcf: {  	v1 =	vmul.u32 $0x5, v1;
	v4 =	vld.idx.msk [tilespmem:v58+s11+$0x0], $0xffff;
	_ =	sdelay $0x1  }
0xd0: {  	v5 =	vld.idx.msk [tilespmem:v59+s11+$0x0], $0xffff  }
0xd1: {  	v7 =	vadd.s32 $0x1, v1;
	v8 =	vand.u32 $0x7FFFFFFF, v6;
	v9 =	vand.u32 $0x7FFFFFFF, v3  }
0xd2: {  	v2 =	vld.idx.msk [tilespmem:v2+s11+$0x0], $0xffff;
	v8 =	vadd.f32 v9, v8  }
0xd3: {  	v60 =	vadd.s32 $0x2, v1;
	v10 =	vand.u32 $0x7FFFFFFF, v4  }
0xd4: {  	v11 =	vld.idx.msk [tilespmem:v1+s8+$0x0], $0xffff;
	v8 =	vadd.f32 v10, v8  }
0xd5: {  	v61 =	vadd.s32 $0x3, v1;
	v12 =	vand.u32 $0x7FFFFFFF, v5  }
0xd6: {  	v7 =	vld.idx.msk [tilespmem:v7+s8+$0x0], $0xffff;
	v8 =	vadd.f32 v12, v8  }
0xd7: {  	v1 =	vadd.s32 $0x4, v1;
	v62 =	vand.u32 $0x7FFFFFFF, v2  }
0xd8: {  	v9 =	vld.idx.msk [tilespmem:v60+s8+$0x0], $0xffff;
	v8 =	vadd.f32 v62, v8  }
0xd9: {  	v6 =	vmul.f32 v11, v6  }
0xda: {  	v10 =	vld.idx.msk [tilespmem:v61+s8+$0x0], $0xffff;
	v8 =	vmax.f32 v8, $9.999999960e-13  }
0xdb: {  	v3 =	vmul.f32 v7, v3;
	v6 =	vadd.f32 $0.0e+00, v6;
	(erf) = vrcp.f32 v8  }
0xdc: {  	v1 =	vld.idx.msk [tilespmem:v1+s8+$0x0], $0xffff  }
0xdd: {  	v3 =	vadd.f32 v3, v6;
	v4 =	vmul.f32 v9, v4;
	_ =	sdelay $0x1  }
0xde: {  	v3 =	vadd.f32 v4, v3;
	v63 =	vmul.f32 v10, v5;
	_ =	sdelay $0x1  }
0xdf: {  	v1 =	vmul.f32 v1, v2;
	v3 =	vadd.f32 v63, v3;
	_ =	sdelay $0x1  }
0xe0: {  	v1 =	vadd.f32 v1, v3  }
0xe1: {  	v2 =	vpop (erf)  }
0xe2: {  	s14 =	sadd.s32 $0x1, s14;
	v1 =	vmul.f32 v2, v1  }
0xe3: {  	p0 =	sne.s32 s14, s7;
	s0 =	sadd.s32 $0x10, s0  }
.Ltmp2:
0xe4: {  	s31 =	simm.s32 $0x10C00;
	[tilespmem:s0+$0x0] =	vst v1;
	(pc) =	sbr.rel @p0 .LBB2_1-.Ltmp2, $4  }
0xe5: {  	[hbm4b:s6+s2] =	stream.linear.scatter [tilespmem:s31], [sflag:$0x3], $0x200, $0x38;
	[tilespmem:$0x10E00] =	vst v63  }
0xe6: {  	_ =	swait.ge [sflag:s13], $0x200  }
0xe7: {  	[sflag:s13] =	ssyncset.done $0x0  }
0xe8: {  	[sflag:s13] =	ssyncadd.s32 $0xFFFFFE00  }
0xe9: {  	_ =	sfence.sel $0x180000  }
0xea: {  	[bflag:$0x0] =	sbarrier.arrive $0xFFFF  }
0xeb: {  	_ =	strace $0x90000047  }
0xec: {  	s0 =	stileid.u32;
	[bflag:$0x2] =	sbarrier.arrive $0xFFFF  }
0xed: {  	p0 =	sne.s32 s0, $0x0;
	s0 =	rddreg [dreg:$0x3]  }
0xee: {  	s0 =	sadd.s32 @!p0 $0x100000, s0  }
0xef: {  	[sflag:s0] =	ssyncadd.tile.s32 @!p0 $0x1;
	_ =	shalt  }
.Lfunc_end2:
_tile_overlayer_lowered:
.L_overlay_start_2:
0xf0: {  	(tag) =	ssettag $0x2  }
0xf1: {  	s0 =	rddreg [dreg:$0x0];
	s2 =	stileid.u32  }
0xf2: {  	s1 =	rddreg [dreg:$0x1];
	p0 =	sne.s32 s2, $0x0  }
0xf3: {  	s3 =	rddreg [dreg:$0x2];
	[bflag:$0x3] =	sbarrier.arrive $0xFFFF;
	s2 =	simm.s32 @!p0 $0x1C03  }
0xf4: {  	[timem:s3], [sflag:s2] =	dma.local @!p0 [hbm:s0], s1  }
0xf5: {  	s0 =	simm.s32 @!p0 $0x3  }
0xf6: {  	_ =	swait.ge @!p0 [sflag:s0], s1  }
0xf7: {  	s1 =	ssub.s32 @!p0 $0x0, s1;
	[sflag:s0] =	ssyncset.done @!p0 $0x0  }
0xf8: {  	[sflag:s0] =	ssyncadd.s32 @!p0 s1  }
0xf9: {  	[bflag:$0x3] =	sbarrier.arrive $0xFFFF  }
0xfa: {  	_ =	shalt  }

</sc_bundles>
